<compile_context>
chip_gen: v7x
topology: tpu7x:2x2x1
jax: 0.10.2.dev20260603
libtpu: 0.0.44.dev20260713+nightly
codegen_flags: <defaults>
</compile_context>

<pallas_src>
import functools

import jax
import jax.numpy as jnp
from jax import lax
from jax.experimental import pallas as pl
from jax.experimental.pallas import tpu as pltpu
from jax.experimental.pallas import tpu_sc as plsc

NC = 2
NS = 16
LANES = 16
CHUNK = 128



def _deg_hist(row_p, n_pad):
  per_w = row_p.shape[0] // (NC * NS)
  n_chunks = per_w // CHUNK
  slab = n_pad // NS
  assert per_w % CHUNK == 0
  assert n_pad % NS == 0 and slab % LANES == 0

  mesh = plsc.VectorSubcoreMesh(core_axis_name="c", subcore_axis_name="s")

  @functools.partial(
      pl.kernel,
      out_type=jax.ShapeDtypeStruct((NC, n_pad), jnp.float32),
      mesh=mesh,
      scratch_types=[
          pltpu.VMEM((CHUNK,), jnp.int32),
          pltpu.VMEM((CHUNK,), jnp.float32),
          pltpu.VMEM((slab,), jnp.float32),
          pltpu.VMEM_SHARED((n_pad,), jnp.float32),
      ],
  )
  def k(row_hbm, out_hbm, ridx, ones, zbuf, acc):
    c = lax.axis_index("c")
    s = lax.axis_index("s")
    wid = c * NS + s

    @pl.loop(0, slab // LANES)
    def _(i):
      zbuf[pl.ds(i * LANES, LANES)] = jnp.zeros((LANES,), jnp.float32)

    @pl.loop(0, CHUNK // LANES)
    def _(i):
      ones[pl.ds(i * LANES, LANES)] = jnp.ones((LANES,), jnp.float32)

    pltpu.sync_copy(zbuf, acc.at[pl.ds(s * slab, slab)])
    plsc.subcore_barrier()

    @pl.loop(0, n_chunks)
    def _(j):
      pltpu.sync_copy(row_hbm.at[pl.ds(wid * per_w + j * CHUNK, CHUNK)],
                      ridx)
      pltpu.sync_copy(ones, acc.at[ridx], add=True)

    plsc.subcore_barrier()
    pltpu.sync_copy(acc.at[pl.ds(s * slab, slab)],
                    out_hbm.at[c].at[pl.ds(s * slab, slab)])

  return k(row_p)


def _seg_rows(g2, row_p, col_p):
  nn, hd = g2.shape
  n_pad = nn // NC
  per_t = row_p.shape[0] // NS
  n_chunks = per_t // CHUNK
  assert per_t % CHUNK == 0 and n_chunks % 2 == 0
  slab = n_pad // NS
  zfull, ztail = slab // CHUNK, slab % CHUNK
  assert n_pad % NS == 0 and slab % 8 == 0 and ztail % 8 == 0

  mesh = plsc.VectorSubcoreMesh(core_axis_name="c", subcore_axis_name="s")

  @functools.partial(
      pl.kernel,
      out_type=jax.ShapeDtypeStruct((NC, n_pad, hd), jnp.float32),
      mesh=mesh,
      scratch_types=[
          pltpu.VMEM((CHUNK,), jnp.int32),
          pltpu.VMEM((CHUNK,), jnp.int32),
          pltpu.VMEM((CHUNK,), jnp.int32),
          pltpu.VMEM((CHUNK,), jnp.int32),
          pltpu.VMEM((CHUNK, hd), jnp.float32),
          pltpu.VMEM((CHUNK, hd), jnp.float32),
          pltpu.VMEM_SHARED((n_pad, hd), jnp.float32),
          pltpu.VMEM_SHARED((n_pad, hd), jnp.float32),
          pltpu.SemaphoreType.DMA,
          pltpu.SemaphoreType.DMA,
          pltpu.SemaphoreType.DMA,
          pltpu.SemaphoreType.DMA,
          pltpu.SemaphoreType.DMA,
          pltpu.SemaphoreType.DMA,
      ],
  )
  def k(g_hbm, row_hbm, col_hbm, out_hbm, cbuf0, cbuf1, rbuf0, rbuf1,
        buf0, buf1, gsh, acc, gs0, gs1, rs0, rs1, cs0, cs1):
    c = lax.axis_index("c")
    s = lax.axis_index("s")
    base = s * per_t
    grow = c * n_pad + s * slab

    def load_idx(hbm, j, buf, sem):
      pltpu.async_copy(hbm.at[pl.ds(base + j * CHUNK, CHUNK)], buf, sem)

    def wait_idx(hbm, j, buf, sem):
      pltpu.make_async_copy(hbm.at[pl.ds(base + j * CHUNK, CHUNK)], buf,
                            sem).wait()

    def gather(cbuf, buf, sem):
      pltpu.async_copy(gsh.at[cbuf], buf, sem)

    def wait_gather(cbuf, buf, sem):
      pltpu.make_async_copy(gsh.at[cbuf], buf, sem).wait()

    @pl.loop(0, zfull)
    def _(i):
      pltpu.sync_copy(g_hbm.at[pl.ds(grow + i * CHUNK, CHUNK)], buf1)
      pltpu.sync_copy(buf1, gsh.at[pl.ds(s * slab + i * CHUNK, CHUNK)])

    if ztail:
      pltpu.sync_copy(g_hbm.at[pl.ds(grow + zfull * CHUNK, ztail)],
                      buf1.at[pl.ds(0, ztail)])
      pltpu.sync_copy(buf1.at[pl.ds(0, ztail)],
                      gsh.at[pl.ds(s * slab + zfull * CHUNK, ztail)])

    @pl.loop(0, CHUNK)
    def _(i):
      @pl.loop(0, hd // LANES)
      def _(j):
        buf0[i, pl.ds(j * LANES, LANES)] = jnp.zeros((LANES,), jnp.float32)

    @pl.loop(0, zfull)
    def _(i):
      pltpu.sync_copy(buf0, acc.at[pl.ds(s * slab + i * CHUNK, CHUNK)])

    if ztail:
      pltpu.sync_copy(buf0.at[pl.ds(0, ztail)],
                      acc.at[pl.ds(s * slab + zfull * CHUNK, ztail)])

    plsc.subcore_barrier()

    load_idx(col_hbm, 0, cbuf0, cs0)
    load_idx(row_hbm, 0, rbuf0, rs0)
    load_idx(col_hbm, 1, cbuf1, cs1)
    load_idx(row_hbm, 1, rbuf1, rs1)
    wait_idx(col_hbm, 0, cbuf0, cs0)
    gather(cbuf0, buf0, gs0)
    wait_idx(col_hbm, 1, cbuf1, cs1)
    gather(cbuf1, buf1, gs1)

    @pl.loop(0, n_chunks, step=2)
    def _(j):
      wait_gather(cbuf0, buf0, gs0)
      wait_idx(row_hbm, j, rbuf0, rs0)

      @pl.when(j + 2 < n_chunks)
      def _():
        load_idx(col_hbm, j + 2, cbuf0, cs0)

      pltpu.sync_copy(buf0, acc.at[rbuf0], add=True)

      @pl.when(j + 2 < n_chunks)
      def _():
        load_idx(row_hbm, j + 2, rbuf0, rs0)
        wait_idx(col_hbm, j + 2, cbuf0, cs0)
        gather(cbuf0, buf0, gs0)

      wait_gather(cbuf1, buf1, gs1)
      wait_idx(row_hbm, j + 1, rbuf1, rs1)

      @pl.when(j + 3 < n_chunks)
      def _():
        load_idx(col_hbm, j + 3, cbuf1, cs1)

      pltpu.sync_copy(buf1, acc.at[rbuf1], add=True)

      @pl.when(j + 3 < n_chunks)
      def _():
        load_idx(row_hbm, j + 3, rbuf1, rs1)
        wait_idx(col_hbm, j + 3, cbuf1, cs1)
        gather(cbuf1, buf1, gs1)

    plsc.subcore_barrier()
    pltpu.sync_copy(acc.at[pl.ds(s * slab, slab)],
                    out_hbm.at[c].at[pl.ds(s * slab, slab)])

  return k(g2, row_p, col_p)




def _mm_body(x_ref, w_ref, o_ref):
  o_ref[0] = jnp.dot(x_ref[...], w_ref[0],
                     preferred_element_type=jnp.float32)


def _matmul_split(x, ws, blk):
  n, d = x.shape
  hd = ws.shape[2]
  return pl.pallas_call(
      _mm_body,
      grid=(NC, n // blk),
      in_specs=[
          pl.BlockSpec((blk, d), lambda h, i: (i, 0)),
          pl.BlockSpec((1, d, hd), lambda h, i: (h, 0, 0)),
      ],
      out_specs=pl.BlockSpec((1, blk, hd), lambda h, i: (h, i, 0)),
      out_shape=jax.ShapeDtypeStruct((NC, n, hd), jnp.float32),
  )(x, ws)


def _scale_body(degp_ref, xw_ref, dinv_ref, g_ref):
  deg = 1.0 + degp_ref[0] + degp_ref[1]
  dinv = lax.rsqrt(deg)
  dinv_ref[...] = dinv
  g_ref[0] = dinv * xw_ref[0]
  g_ref[1] = dinv * xw_ref[1]


def _scale(degp, xw, blk):
  _, n, hd = xw.shape
  return pl.pallas_call(
      _scale_body,
      grid=(n // blk,),
      in_specs=[
          pl.BlockSpec((NC, blk, 1), lambda i: (0, i, 0)),
          pl.BlockSpec((NC, blk, hd), lambda i: (0, i, 0)),
      ],
      out_specs=[
          pl.BlockSpec((blk, 1), lambda i: (i, 0)),
          pl.BlockSpec((NC, blk, hd), lambda i: (0, i, 0)),
      ],
      out_shape=[
          jax.ShapeDtypeStruct((n, 1), jnp.float32),
          jax.ShapeDtypeStruct((NC, n, hd), jnp.float32),
      ],
  )(degp, xw)


def _mid_body(accp_ref, g_ref, dinv_ref, w_ref, g2_ref):
  dinv = dinv_ref[...]
  h = jnp.concatenate(
      [accp_ref[0] + g_ref[0], accp_ref[1] + g_ref[1]], axis=-1)
  h = jnp.maximum(dinv * h, 0.0)
  g2_ref[0] = dinv * jnp.dot(h, w_ref[0],
                             preferred_element_type=jnp.float32)
  g2_ref[1] = dinv * jnp.dot(h, w_ref[1],
                             preferred_element_type=jnp.float32)


def _mid(accp, g, dinv, ws, blk):
  _, n, hd = g.shape
  d = ws.shape[1]
  return pl.pallas_call(
      _mid_body,
      grid=(n // blk,),
      in_specs=[
          pl.BlockSpec((NC, blk, hd), lambda i: (0, i, 0)),
          pl.BlockSpec((NC, blk, hd), lambda i: (0, i, 0)),
          pl.BlockSpec((blk, 1), lambda i: (i, 0)),
          pl.BlockSpec((NC, d, hd), lambda i: (0, 0, 0)),
      ],
      out_specs=pl.BlockSpec((NC, blk, hd), lambda i: (0, i, 0)),
      out_shape=jax.ShapeDtypeStruct((NC, n, hd), jnp.float32),
  )(accp, g, dinv, ws)


def _final_body(accp_ref, g_ref, dinv_ref, o_ref):
  dinv = dinv_ref[...]
  h = jnp.concatenate(
      [accp_ref[0] + g_ref[0], accp_ref[1] + g_ref[1]], axis=-1)
  h = jnp.maximum(dinv * h, 0.0)
  m = jnp.max(h, axis=-1, keepdims=True)
  ex = jnp.exp(h - m)
  o_ref[...] = ex / jnp.sum(ex, axis=-1, keepdims=True)


def _final(accp, g, dinv, blk):
  _, n, hd = g.shape
  d = NC * hd
  return pl.pallas_call(
      _final_body,
      grid=(n // blk,),
      in_specs=[
          pl.BlockSpec((NC, blk, hd), lambda i: (0, i, 0)),
          pl.BlockSpec((NC, blk, hd), lambda i: (0, i, 0)),
          pl.BlockSpec((blk, 1), lambda i: (i, 0)),
      ],
      out_specs=pl.BlockSpec((blk, d), lambda i: (i, 0)),
      out_shape=jax.ShapeDtypeStruct((n, d), jnp.float32),
  )(accp, g, dinv)




def kernel(x, edge_index, W0, W1):
  n, d = x.shape
  e = edge_index.shape[1]
  hd = d // NC
  row = edge_index[0]
  col = edge_index[1]

  n_pad = ((n + 1023) // 1024) * 1024
  x_p = jnp.pad(x, ((0, n_pad - n), (0, 0)))

  w0s = jnp.stack([W0[:, :hd], W0[:, hd:]])
  w1s = jnp.stack([W1[:, :hd], W1[:, hd:]])

  grp = NS * CHUNK
  n_chunks = ((e + grp - 1) // grp + 1) // 2 * 2
  e_pad = grp * n_chunks
  pad = e_pad - e
  row_p = jnp.concatenate(
      [row, n + (jnp.arange(pad, dtype=jnp.int32) % (n_pad - n))])
  col_p = jnp.concatenate([col, jnp.arange(pad, dtype=jnp.int32) % n])

  blk = 1024

  degp = _deg_hist(row_p, n_pad)
  xw0 = _matmul_split(x_p, w0s, blk)
  dinv, g0 = _scale(degp.reshape(NC, n_pad, 1), xw0, blk)
  g0f = g0.reshape(NC * n_pad, hd)
  acc0 = _seg_rows(g0f, row_p, col_p)
  g1 = _mid(acc0, g0, dinv, w1s, blk)
  acc1 = _seg_rows(g1.reshape(NC * n_pad, hd), row_p, col_p)
  out = _final(acc1, g1, dinv, blk)
  return out[:n]

# --- scband reference (transcript-rebuilt; emitter-appended) ---
"""Pipeline reference for scband-gcn-42941083025466 (READ-ONLY COPY).

The authoritative reference and input builder live on the scoring server;
editing this copy changes nothing except your own understanding.
"""

import jax, jax.numpy as jnp
import numpy as np

N = 10000
E = 320000
D = 128


def setup_inputs(seed: int = 0) -> dict:
    key = jax.random.key(seed)
    k1, k2, k3, k4 = jax.random.split(key, 4)
    x = jax.random.normal(k1, (N, D), dtype=jnp.float32)
    edge_index = jax.random.randint(k2, (2, E), 0, N, dtype=jnp.int32)
    # Learned weights: one per GraphDense layer (input_dim=128 -> hidden=128 -> output=128)
    W0 = jax.random.normal(k3, (D, D), dtype=jnp.float32)
    W1 = jax.random.normal(k4, (D, D), dtype=jnp.float32)
    return {"x": x, "edge_index": edge_index, "W0": W0, "W1": W1}


def _spmm_normalized(H, row, col, dinv):
    # agg_mat = D^{-1/2} (I + A) D^{-1/2}; A has a 1 at (row_e, col_e) for each edge e.
    # (agg @ H)_i = dinv_i^2 * H_i + sum_{e: row_e = i} dinv_i * dinv_{col_e} * H_{col_e}
    self_part = (dinv * dinv)[:, None] * H
    w = dinv[row] * dinv[col]
    neigh = jax.ops.segment_sum(w[:, None] * H[col], row, num_segments=H.shape[0])
    return self_part + neigh


def reference(x, edge_index, W0, W1):
    row = edge_index[0]
    col = edge_index[1]
    n = x.shape[0]
    # Row sums of adj_hat = I + A (degree vector of the self-loop-augmented graph)
    deg = 1.0 + jax.ops.segment_sum(jnp.ones(row.shape[0], dtype=x.dtype), row, num_segments=n)
    dinv = 1.0 / jnp.sqrt(deg)
    # Layer 1: agg @ (x @ W0), then Relu
    h = _spmm_normalized(x @ W0, row, col, dinv)
    h = jax.nn.relu(h)
    # Layer 2: agg @ (h @ W1), then Relu
    h = _spmm_normalized(h @ W1, row, col, dinv)
    h = jax.nn.relu(h)
    return jax.nn.softmax(h, axis=-1)

if __name__ == "__main__":
    import jax
    _d = setup_inputs()
    print(jax.jit(kernel)(*tuple(_d.values())))

</pallas_src>

<mosaic_0001>
#map = affine_map<(d0, d1) -> (0)>
#map1 = affine_map<(d0, d1) -> (0, 0)>
module attributes {stable_mosaic.version = 14 : i64} {
  func.func @k(%arg0: i32, %arg1: i32, %arg2: memref<323584xi32, #tpu.memory_space<hbm>>, %arg3: memref<2x10240xf32, #tpu.memory_space<hbm>>, %arg4: memref<128xi32, #tpu.memory_space<vmem>>, %arg5: memref<128xf32, #tpu.memory_space<vmem>>, %arg6: memref<640xf32, #tpu.memory_space<vmem>>, %arg7: memref<10240xf32, #tpu.memory_space<vmem_shared>>) attributes {dimension_semantics = [#tpu.dimension_semantics<core_parallel>, #tpu.dimension_semantics<subcore_parallel>], iteration_bounds = array<i64: 2, 16>, scalar_prefetch = 0 : i64, scratch_operands = 4 : i64, tpu.core_type = #tpu.core_type<sc_vector_subcore>, window_params = [{transform_indices = #map}, {transform_indices = #map1}]} {
    %mul3A = arith.constant 16 : i32
    %mul3A_0 = arith.muli %arg0, %mul3A : i32
    %add3A = arith.addi %mul3A_0, %arg1 : i32
    %scan3A = arith.constant 0 : i32
    %scan3A_1 = arith.constant 40 : i32
    %scan3A_2 = arith.addi %scan3A, %scan3A_1 : i32
    %scan3A_3 = arith.constant 1 : i32
    scf.for %scan3A_22 = %scan3A to %scan3A_2 step %scan3A_3  : i32 {
      %mul3A_23 = arith.constant 1 : i32
      %mul3A_24 = arith.muli %scan3A_22, %mul3A_23 : i32
      %add3A_25 = arith.constant 0 : i32
      %add3A_26 = arith.addi %add3A_25, %mul3A_24 : i32
      %broadcast_in_dim3A = arith.constant 0.000000e+00 : f32
      %broadcast_in_dim3A_27 = vector.broadcast %broadcast_in_dim3A : f32 to vector<16xf32>
      %mul3A_28 = arith.constant 16 : i32
      %mul3A_29 = arith.muli %add3A_26, %mul3A_28 : i32
      %swap3A = arith.index_cast %mul3A_29 : i32 to index
      %swap3A_30 = tpu.vector_load %arg6[%swap3A] {strides = array<i32>} : memref<640xf32, #tpu.memory_space<vmem>>, vector<16xf32>,
      %swap3A_31 = vector.shape_cast %swap3A_30 : vector<16xf32> to vector<16xf32>
      %swap3A_32 = vector.shape_cast %broadcast_in_dim3A_27 : vector<16xf32> to vector<16xf32>
      tpu.vector_store %arg6[%swap3A], %swap3A_32 {strides = array<i32>} : memref<640xf32, #tpu.memory_space<vmem>>, vector<16xf32>,
    }
    %scan3A_4 = arith.constant 40 : i32
    %scan3A_5 = arith.constant 0 : i32
    %scan3A_6 = arith.constant 8 : i32
    %scan3A_7 = arith.addi %scan3A_5, %scan3A_6 : i32
    %scan3A_8 = arith.constant 1 : i32
    scf.for %scan3A_22 = %scan3A_5 to %scan3A_7 step %scan3A_8  : i32 {
      %mul3A_23 = arith.constant 1 : i32
      %mul3A_24 = arith.muli %scan3A_22, %mul3A_23 : i32
      %add3A_25 = arith.constant 0 : i32
      %add3A_26 = arith.addi %add3A_25, %mul3A_24 : i32
      %broadcast_in_dim3A = arith.constant 1.000000e+00 : f32
      %broadcast_in_dim3A_27 = vector.broadcast %broadcast_in_dim3A : f32 to vector<16xf32>
      %mul3A_28 = arith.constant 16 : i32
      %mul3A_29 = arith.muli %add3A_26, %mul3A_28 : i32
      %swap3A = arith.index_cast %mul3A_29 : i32 to index
      %swap3A_30 = tpu.vector_load %arg5[%swap3A] {strides = array<i32>} : memref<128xf32, #tpu.memory_space<vmem>>, vector<16xf32>,
      %swap3A_31 = vector.shape_cast %swap3A_30 : vector<16xf32> to vector<16xf32>
      %swap3A_32 = vector.shape_cast %broadcast_in_dim3A_27 : vector<16xf32> to vector<16xf32>
      tpu.vector_store %arg5[%swap3A], %swap3A_32 {strides = array<i32>} : memref<128xf32, #tpu.memory_space<vmem>>, vector<16xf32>,
    }
    %scan3A_9 = arith.constant 8 : i32
    %mul3A_10 = arith.constant 640 : i32
    %mul3A_11 = arith.muli %arg1, %mul3A_10 : i32
    "tpu.region"() ({
      %run_scoped3A = tpu.sem_alloc : memref<!tpu.dma_semaphore, #tpu.memory_space<semaphore_mem>>
      %dma_start3A = tpu.memref_slice %arg7[%mul3A_11] : memref<10240xf32, #tpu.memory_space<vmem_shared>> -> memref<640xf32, #tpu.memory_space<vmem_shared>>
      %dma_start3A_22 = tpu.memref_slice %arg7[%mul3A_11] : memref<10240xf32, #tpu.memory_space<vmem_shared>> -> memref<640xf32, #tpu.memory_space<vmem_shared>>
      tpu.enqueue_dma source(%arg6 : memref<640xf32, #tpu.memory_space<vmem>>) target(%dma_start3A_22 : memref<640xf32, #tpu.memory_space<vmem_shared>>) target_semaphore(%run_scoped3A : memref<!tpu.dma_semaphore, #tpu.memory_space<semaphore_mem>>)
      %dma_wait3A = tpu.memref_slice %arg7[%mul3A_11] : memref<10240xf32, #tpu.memory_space<vmem_shared>> -> memref<640xf32, #tpu.memory_space<vmem_shared>>
      %dma_wait3A_23 = tpu.memref_slice %arg7[%mul3A_11] : memref<10240xf32, #tpu.memory_space<vmem_shared>> -> memref<640xf32, #tpu.memory_space<vmem_shared>>
      tpu.wait_dma2 semaphore(%run_scoped3A : memref<!tpu.dma_semaphore, #tpu.memory_space<semaphore_mem>>) src(%arg6 : memref<640xf32, #tpu.memory_space<vmem>>) dst(%dma_wait3A_23 : memref<640xf32, #tpu.memory_space<vmem_shared>>)
      tpu.yield
    }) : () -> ()
    %barrier3A = arith.constant 0 : index
    tpu.barrier barrier_id(%barrier3A)
    %scan3A_12 = arith.constant 0 : i32
    %scan3A_13 = arith.constant 79 : i32
    %scan3A_14 = arith.addi %scan3A_12, %scan3A_13 : i32
    %scan3A_15 = arith.constant 1 : i32
    scf.for %scan3A_22 = %scan3A_12 to %scan3A_14 step %scan3A_15  : i32 {
      %mul3A_23 = arith.constant 1 : i32
      %mul3A_24 = arith.muli %scan3A_22, %mul3A_23 : i32
      %add3A_25 = arith.constant 0 : i32
      %add3A_26 = arith.addi %add3A_25, %mul3A_24 : i32
      %mul3A_27 = arith.constant 10112 : i32
      %mul3A_28 = arith.muli %add3A, %mul3A_27 : i32
      %mul3A_29 = arith.constant 128 : i32
      %mul3A_30 = arith.muli %add3A_26, %mul3A_29 : i32
      %add3A_31 = arith.addi %mul3A_28, %mul3A_30 : i32
      "tpu.region"() ({
        %run_scoped3A = tpu.sem_alloc : memref<!tpu.dma_semaphore, #tpu.memory_space<semaphore_mem>>
        %dma_start3A = tpu.memref_slice %arg2[%add3A_31] : memref<323584xi32, #tpu.memory_space<hbm>> -> memref<128xi32, #tpu.memory_space<hbm>>
        %dma_start3A_32 = tpu.memref_slice %arg2[%add3A_31] : memref<323584xi32, #tpu.memory_space<hbm>> -> memref<128xi32, #tpu.memory_space<hbm>>
        tpu.enqueue_dma source(%dma_start3A_32 : memref<128xi32, #tpu.memory_space<hbm>>) target(%arg4 : memref<128xi32, #tpu.memory_space<vmem>>) target_semaphore(%run_scoped3A : memref<!tpu.dma_semaphore, #tpu.memory_space<semaphore_mem>>)
        %dma_wait3A = tpu.memref_slice %arg2[%add3A_31] : memref<323584xi32, #tpu.memory_space<hbm>> -> memref<128xi32, #tpu.memory_space<hbm>>
        %dma_wait3A_33 = tpu.memref_slice %arg2[%add3A_31] : memref<323584xi32, #tpu.memory_space<hbm>> -> memref<128xi32, #tpu.memory_space<hbm>>
        tpu.wait_dma2 semaphore(%run_scoped3A : memref<!tpu.dma_semaphore, #tpu.memory_space<semaphore_mem>>) src(%dma_wait3A_33 : memref<128xi32, #tpu.memory_space<hbm>>) dst(%arg4 : memref<128xi32, #tpu.memory_space<vmem>>)
        tpu.yield
      }) : () -> ()
      "tpu.region"() ({
        %run_scoped3A = tpu.sem_alloc : memref<!tpu.dma_semaphore, #tpu.memory_space<semaphore_mem>>
        %dma_start3A = arith.constant 0 : i32
        %dma_start3A_32 = tpu.memref_slice %arg7[%dma_start3A] : memref<10240xf32, #tpu.memory_space<vmem_shared>> -> memref<10240xf32, #tpu.memory_space<vmem_shared>>
        tpu.enqueue_indirect_dma source(%arg5 : memref<128xf32, #tpu.memory_space<vmem>>) target(%dma_start3A_32 : memref<10240xf32, #tpu.memory_space<vmem_shared>>) offsets(%arg4 : memref<128xi32, #tpu.memory_space<vmem>>) semaphore(%run_scoped3A : memref<!tpu.dma_semaphore, #tpu.memory_space<semaphore_mem>>) {add = true}
        %dma_wait3A = arith.constant 0 : i32
        %dma_wait3A_33 = tpu.memref_slice %arg7[%dma_wait3A] : memref<10240xf32, #tpu.memory_space<vmem_shared>> -> memref<10240xf32, #tpu.memory_space<vmem_shared>>
        tpu.wait_indirect_dma semaphore(%run_scoped3A : memref<!tpu.dma_semaphore, #tpu.memory_space<semaphore_mem>>) src(%arg5 : memref<128xf32, #tpu.memory_space<vmem>>) dst(%dma_wait3A_33 : memref<10240xf32, #tpu.memory_space<vmem_shared>>)
        tpu.yield
      }) : () -> ()
    }
    %scan3A_16 = arith.constant 79 : i32
    %barrier3A_17 = arith.constant 0 : index
    tpu.barrier barrier_id(%barrier3A_17)
    %mul3A_18 = arith.constant 640 : i32
    %mul3A_19 = arith.muli %arg1, %mul3A_18 : i32
    %mul3A_20 = arith.constant 640 : i32
    %mul3A_21 = arith.muli %arg1, %mul3A_20 : i32
    "tpu.region"() ({
      %run_scoped3A = tpu.sem_alloc : memref<!tpu.dma_semaphore, #tpu.memory_space<semaphore_mem>>
      %dma_start3A = arith.constant 0 : i32
      %dma_start3A_22 = tpu.memref_slice %arg3[%arg0, %dma_start3A] : memref<2x10240xf32, #tpu.memory_space<hbm>> -> memref<1x10240xf32, #tpu.memory_space<hbm>>
      %dma_start3A_23 = tpu.memref_squeeze %dma_start3A_22 : memref<1x10240xf32, #tpu.memory_space<hbm>> -> memref<10240xf32, #tpu.memory_space<hbm>>
      %dma_start3A_24 = tpu.memref_slice %dma_start3A_23[%mul3A_21] : memref<10240xf32, #tpu.memory_space<hbm>> -> memref<640xf32, #tpu.memory_space<hbm>>
      %dma_start3A_25 = tpu.memref_slice %arg7[%mul3A_19] : memref<10240xf32, #tpu.memory_space<vmem_shared>> -> memref<640xf32, #tpu.memory_space<vmem_shared>>
      tpu.enqueue_dma source(%dma_start3A_25 : memref<640xf32, #tpu.memory_space<vmem_shared>>) target(%dma_start3A_24 : memref<640xf32, #tpu.memory_space<hbm>>) target_semaphore(%run_scoped3A : memref<!tpu.dma_semaphore, #tpu.memory_space<semaphore_mem>>)
      %dma_wait3A = arith.constant 0 : i32
      %dma_wait3A_26 = tpu.memref_slice %arg3[%arg0, %dma_wait3A] : memref<2x10240xf32, #tpu.memory_space<hbm>> -> memref<1x10240xf32, #tpu.memory_space<hbm>>
      %dma_wait3A_27 = tpu.memref_squeeze %dma_wait3A_26 : memref<1x10240xf32, #tpu.memory_space<hbm>> -> memref<10240xf32, #tpu.memory_space<hbm>>
      %dma_wait3A_28 = tpu.memref_slice %dma_wait3A_27[%mul3A_21] : memref<10240xf32, #tpu.memory_space<hbm>> -> memref<640xf32, #tpu.memory_space<hbm>>
      %dma_wait3A_29 = tpu.memref_slice %arg7[%mul3A_19] : memref<10240xf32, #tpu.memory_space<vmem_shared>> -> memref<640xf32, #tpu.memory_space<vmem_shared>>
      tpu.wait_dma2 semaphore(%run_scoped3A : memref<!tpu.dma_semaphore, #tpu.memory_space<semaphore_mem>>) src(%dma_wait3A_29 : memref<640xf32, #tpu.memory_space<vmem_shared>>) dst(%dma_wait3A_28 : memref<640xf32, #tpu.memory_space<hbm>>)
      tpu.yield
    }) : () -> ()
    return
  }
}

#map = affine_map<(d0, d1) -> (0, 0)>
#map1 = affine_map<(d0, d1) -> (0)>
#map2 = affine_map<(d0, d1) -> (0, 0, 0)>
module attributes {stable_mosaic.version = 14 : i64} {
  func.func @k(%arg0: i32, %arg1: i32, %arg2: memref<20480x64xf32, #tpu.memory_space<hbm>>, %arg3: memref<323584xi32, #tpu.memory_space<hbm>>, %arg4: memref<323584xi32, #tpu.memory_space<hbm>>, %arg5: memref<2x10240x64xf32, #tpu.memory_space<hbm>>, %arg6: memref<128xi32, #tpu.memory_space<vmem>>, %arg7: memref<128xi32, #tpu.memory_space<vmem>>, %arg8: memref<128xi32, #tpu.memory_space<vmem>>, %arg9: memref<128xi32, #tpu.memory_space<vmem>>, %arg10: memref<128x64xf32, #tpu.memory_space<vmem>>, %arg11: memref<128x64xf32, #tpu.memory_space<vmem>>, %arg12: memref<10240x64xf32, #tpu.memory_space<vmem_shared>>, %arg13: memref<10240x64xf32, #tpu.memory_space<vmem_shared>>, %arg14: memref<!tpu.dma_semaphore, #tpu.memory_space<semaphore_mem>>, %arg15: memref<!tpu.dma_semaphore, #tpu.memory_space<semaphore_mem>>, %arg16: memref<!tpu.dma_semaphore, #tpu.memory_space<semaphore_mem>>, %arg17: memref<!tpu.dma_semaphore, #tpu.memory_space<semaphore_mem>>, %arg18: memref<!tpu.dma_semaphore, #tpu.memory_space<semaphore_mem>>, %arg19: memref<!tpu.dma_semaphore, #tpu.memory_space<semaphore_mem>>) attributes {dimension_semantics = [#tpu.dimension_semantics<core_parallel>, #tpu.dimension_semantics<subcore_parallel>], iteration_bounds = array<i64: 2, 16>, scalar_prefetch = 0 : i64, scratch_operands = 14 : i64, tpu.core_type = #tpu.core_type<sc_vector_subcore>, window_params = [{transform_indices = #map}, {transform_indices = #map1}, {transform_indices = #map1}, {transform_indices = #map2}]} {
    %mul3A = arith.constant 20224 : i32
    %mul3A_0 = arith.muli %arg1, %mul3A : i32
    %mul3A_1 = arith.constant 10240 : i32
    %mul3A_2 = arith.muli %arg0, %mul3A_1 : i32
    %mul3A_3 = arith.constant 640 : i32
    %mul3A_4 = arith.muli %arg1, %mul3A_3 : i32
    %add3A = arith.addi %mul3A_2, %mul3A_4 : i32
    %scan3A = arith.constant 0 : i32
    %scan3A_5 = arith.constant 5 : i32
    %scan3A_6 = arith.addi %scan3A, %scan3A_5 : i32
    %scan3A_7 = arith.constant 1 : i32
    scf.for %scan3A_57 = %scan3A to %scan3A_6 step %scan3A_7  : i32 {
      %mul3A_58 = arith.constant 1 : i32
      %mul3A_59 = arith.muli %scan3A_57, %mul3A_58 : i32
      %add3A_60 = arith.constant 0 : i32
      %add3A_61 = arith.addi %add3A_60, %mul3A_59 : i32
      %mul3A_62 = arith.constant 128 : i32
      %mul3A_63 = arith.muli %add3A_61, %mul3A_62 : i32
      %add3A_64 = arith.addi %add3A, %mul3A_63 : i32
      "tpu.region"() ({
        %run_scoped3A = tpu.sem_alloc : memref<!tpu.dma_semaphore, #tpu.memory_space<semaphore_mem>>
        %dma_start3A_70 = arith.constant 0 : i32
        %dma_start3A_71 = tpu.memref_slice %arg2[%add3A_64, %dma_start3A_70] : memref<20480x64xf32, #tpu.memory_space<hbm>> -> memref<128x64xf32, #tpu.memory_space<hbm>>
        %dma_start3A_72 = arith.constant 0 : i32
        %dma_start3A_73 = tpu.memref_slice %arg2[%add3A_64, %dma_start3A_72] : memref<20480x64xf32, #tpu.memory_space<hbm>> -> memref<128x64xf32, #tpu.memory_space<hbm>>
        tpu.enqueue_dma source(%dma_start3A_73 : memref<128x64xf32, #tpu.memory_space<hbm>>) target(%arg11 : memref<128x64xf32, #tpu.memory_space<vmem>>) target_semaphore(%run_scoped3A : memref<!tpu.dma_semaphore, #tpu.memory_space<semaphore_mem>>)
        %dma_wait3A_74 = arith.constant 0 : i32
        %dma_wait3A_75 = tpu.memref_slice %arg2[%add3A_64, %dma_wait3A_74] : memref<20480x64xf32, #tpu.memory_space<hbm>> -> memref<128x64xf32, #tpu.memory_space<hbm>>
        %dma_wait3A_76 = arith.constant 0 : i32
        %dma_wait3A_77 = tpu.memref_slice %arg2[%add3A_64, %dma_wait3A_76] : memref<20480x64xf32, #tpu.memory_space<hbm>> -> memref<128x64xf32, #tpu.memory_space<hbm>>
        tpu.wait_dma2 semaphore(%run_scoped3A : memref<!tpu.dma_semaphore, #tpu.memory_space<semaphore_mem>>) src(%dma_wait3A_77 : memref<128x64xf32, #tpu.memory_space<hbm>>) dst(%arg11 : memref<128x64xf32, #tpu.memory_space<vmem>>)
        tpu.yield
      }) : () -> ()
      %mul3A_65 = arith.constant 640 : i32
      %mul3A_66 = arith.muli %arg1, %mul3A_65 : i32
      %mul3A_67 = arith.constant 128 : i32
      %mul3A_68 = arith.muli %add3A_61, %mul3A_67 : i32
      %add3A_69 = arith.addi %mul3A_66, %mul3A_68 : i32
      "tpu.region"() ({
        %run_scoped3A = tpu.sem_alloc : memref<!tpu.dma_semaphore, #tpu.memory_space<semaphore_mem>>
        %dma_start3A_70 = arith.constant 0 : i32
        %dma_start3A_71 = tpu.memref_slice %arg12[%add3A_69, %dma_start3A_70] : memref<10240x64xf32, #tpu.memory_space<vmem_shared>> -> memref<128x64xf32, #tpu.memory_space<vmem_shared>>
        %dma_start3A_72 = arith.constant 0 : i32
        %dma_start3A_73 = tpu.memref_slice %arg12[%add3A_69, %dma_start3A_72] : memref<10240x64xf32, #tpu.memory_space<vmem_shared>> -> memref<128x64xf32, #tpu.memory_space<vmem_shared>>
        tpu.enqueue_dma source(%arg11 : memref<128x64xf32, #tpu.memory_space<vmem>>) target(%dma_start3A_73 : memref<128x64xf32, #tpu.memory_space<vmem_shared>>) target_semaphore(%run_scoped3A : memref<!tpu.dma_semaphore, #tpu.memory_space<semaphore_mem>>)
        %dma_wait3A_74 = arith.constant 0 : i32
        %dma_wait3A_75 = tpu.memref_slice %arg12[%add3A_69, %dma_wait3A_74] : memref<10240x64xf32, #tpu.memory_space<vmem_shared>> -> memref<128x64xf32, #tpu.memory_space<vmem_shared>>
        %dma_wait3A_76 = arith.constant 0 : i32
        %dma_wait3A_77 = tpu.memref_slice %arg12[%add3A_69, %dma_wait3A_76] : memref<10240x64xf32, #tpu.memory_space<vmem_shared>> -> memref<128x64xf32, #tpu.memory_space<vmem_shared>>
        tpu.wait_dma2 semaphore(%run_scoped3A : memref<!tpu.dma_semaphore, #tpu.memory_space<semaphore_mem>>) src(%arg11 : memref<128x64xf32, #tpu.memory_space<vmem>>) dst(%dma_wait3A_77 : memref<128x64xf32, #tpu.memory_space<vmem_shared>>)
        tpu.yield
      }) : () -> ()
    }
    %scan3A_8 = arith.constant 5 : i32
    %scan3A_9 = arith.constant 0 : i32
    %scan3A_10 = arith.constant 128 : i32
    %scan3A_11 = arith.addi %scan3A_9, %scan3A_10 : i32
    %scan3A_12 = arith.constant 1 : i32
    scf.for %scan3A_57 = %scan3A_9 to %scan3A_11 step %scan3A_12  : i32 {
      %mul3A_58 = arith.constant 1 : i32
      %mul3A_59 = arith.muli %scan3A_57, %mul3A_58 : i32
      %add3A_60 = arith.constant 0 : i32
      %add3A_61 = arith.addi %add3A_60, %mul3A_59 : i32
      %scan3A_62 = arith.constant 0 : i32
      %scan3A_63 = arith.constant 4 : i32
      %scan3A_64 = arith.addi %scan3A_62, %scan3A_63 : i32
      %scan3A_65 = arith.constant 1 : i32
      scf.for %scan3A_67 = %scan3A_62 to %scan3A_64 step %scan3A_65  : i32 {
        %mul3A_68 = arith.constant 1 : i32
        %mul3A_69 = arith.muli %scan3A_67, %mul3A_68 : i32
        %add3A_70 = arith.constant 0 : i32
        %add3A_71 = arith.addi %add3A_70, %mul3A_69 : i32
        %broadcast_in_dim3A = arith.constant 0.000000e+00 : f32
        %broadcast_in_dim3A_72 = vector.broadcast %broadcast_in_dim3A : f32 to vector<16xf32>
        %mul3A_73 = arith.constant 16 : i32
        %mul3A_74 = arith.muli %add3A_71, %mul3A_73 : i32
        %swap3A = arith.index_cast %add3A_61 : i32 to index
        %swap3A_75 = arith.index_cast %mul3A_74 : i32 to index
        %swap3A_76 = tpu.vector_load %arg10[%swap3A, %swap3A_75] {strides = array<i32>} : memref<128x64xf32, #tpu.memory_space<vmem>>, vector<1x16xf32>,
        %swap3A_77 = vector.shape_cast %swap3A_76 : vector<1x16xf32> to vector<16xf32>
        %swap3A_78 = vector.shape_cast %broadcast_in_dim3A_72 : vector<16xf32> to vector<1x16xf32>
        tpu.vector_store %arg10[%swap3A, %swap3A_75], %swap3A_78 {strides = array<i32>} : memref<128x64xf32, #tpu.memory_space<vmem>>, vector<1x16xf32>,
      }
      %scan3A_66 = arith.constant 4 : i32
    }
    %scan3A_13 = arith.constant 128 : i32
    %scan3A_14 = arith.constant 0 : i32
    %scan3A_15 = arith.constant 5 : i32
    %scan3A_16 = arith.addi %scan3A_14, %scan3A_15 : i32
    %scan3A_17 = arith.constant 1 : i32
    scf.for %scan3A_57 = %scan3A_14 to %scan3A_16 step %scan3A_17  : i32 {
      %mul3A_58 = arith.constant 1 : i32
      %mul3A_59 = arith.muli %scan3A_57, %mul3A_58 : i32
      %add3A_60 = arith.constant 0 : i32
      %add3A_61 = arith.addi %add3A_60, %mul3A_59 : i32
      %mul3A_62 = arith.constant 640 : i32
      %mul3A_63 = arith.muli %arg1, %mul3A_62 : i32
      %mul3A_64 = arith.constant 128 : i32
      %mul3A_65 = arith.muli %add3A_61, %mul3A_64 : i32
      %add3A_66 = arith.addi %mul3A_63, %mul3A_65 : i32
      "tpu.region"() ({
        %run_scoped3A = tpu.sem_alloc : memref<!tpu.dma_semaphore, #tpu.memory_space<semaphore_mem>>
        %dma_start3A_67 = arith.constant 0 : i32
        %dma_start3A_68 = tpu.memref_slice %arg13[%add3A_66, %dma_start3A_67] : memref<10240x64xf32, #tpu.memory_space<vmem_shared>> -> memref<128x64xf32, #tpu.memory_space<vmem_shared>>
        %dma_start3A_69 = arith.constant 0 : i32
        %dma_start3A_70 = tpu.memref_slice %arg13[%add3A_66, %dma_start3A_69] : memref<10240x64xf32, #tpu.memory_space<vmem_shared>> -> memref<128x64xf32, #tpu.memory_space<vmem_shared>>
        tpu.enqueue_dma source(%arg10 : memref<128x64xf32, #tpu.memory_space<vmem>>) target(%dma_start3A_70 : memref<128x64xf32, #tpu.memory_space<vmem_shared>>) target_semaphore(%run_scoped3A : memref<!tpu.dma_semaphore, #tpu.memory_space<semaphore_mem>>)
        %dma_wait3A_71 = arith.constant 0 : i32
        %dma_wait3A_72 = tpu.memref_slice %arg13[%add3A_66, %dma_wait3A_71] : memref<10240x64xf32, #tpu.memory_space<vmem_shared>> -> memref<128x64xf32, #tpu.memory_space<vmem_shared>>
        %dma_wait3A_73 = arith.constant 0 : i32
        %dma_wait3A_74 = tpu.memref_slice %arg13[%add3A_66, %dma_wait3A_73] : memref<10240x64xf32, #tpu.memory_space<vmem_shared>> -> memref<128x64xf32, #tpu.memory_space<vmem_shared>>
        tpu.wait_dma2 semaphore(%run_scoped3A : memref<!tpu.dma_semaphore, #tpu.memory_space<semaphore_mem>>) src(%arg10 : memref<128x64xf32, #tpu.memory_space<vmem>>) dst(%dma_wait3A_74 : memref<128x64xf32, #tpu.memory_space<vmem_shared>>)
        tpu.yield
      }) : () -> ()
    }
    %scan3A_18 = arith.constant 5 : i32
    %barrier3A = arith.constant 0 : index
    tpu.barrier barrier_id(%barrier3A)
    %add3A_19 = arith.constant 0 : i32
    %add3A_20 = arith.addi %mul3A_0, %add3A_19 : i32
    %dma_start3A = tpu.memref_slice %arg4[%add3A_20] : memref<323584xi32, #tpu.memory_space<hbm>> -> memref<128xi32, #tpu.memory_space<hbm>>
    %dma_start3A_21 = tpu.memref_slice %arg4[%add3A_20] : memref<323584xi32, #tpu.memory_space<hbm>> -> memref<128xi32, #tpu.memory_space<hbm>>
    tpu.enqueue_dma source(%dma_start3A_21 : memref<128xi32, #tpu.memory_space<hbm>>) target(%arg6 : memref<128xi32, #tpu.memory_space<vmem>>) target_semaphore(%arg18 : memref<!tpu.dma_semaphore, #tpu.memory_space<semaphore_mem>>)
    %add3A_22 = arith.constant 0 : i32
    %add3A_23 = arith.addi %mul3A_0, %add3A_22 : i32
    %dma_start3A_24 = tpu.memref_slice %arg3[%add3A_23] : memref<323584xi32, #tpu.memory_space<hbm>> -> memref<128xi32, #tpu.memory_space<hbm>>
    %dma_start3A_25 = tpu.memref_slice %arg3[%add3A_23] : memref<323584xi32, #tpu.memory_space<hbm>> -> memref<128xi32, #tpu.memory_space<hbm>>
    tpu.enqueue_dma source(%dma_start3A_25 : memref<128xi32, #tpu.memory_space<hbm>>) target(%arg8 : memref<128xi32, #tpu.memory_space<vmem>>) target_semaphore(%arg16 : memref<!tpu.dma_semaphore, #tpu.memory_space<semaphore_mem>>)
    %add3A_26 = arith.constant 128 : i32
    %add3A_27 = arith.addi %mul3A_0, %add3A_26 : i32
    %dma_start3A_28 = tpu.memref_slice %arg4[%add3A_27] : memref<323584xi32, #tpu.memory_space<hbm>> -> memref<128xi32, #tpu.memory_space<hbm>>
    %dma_start3A_29 = tpu.memref_slice %arg4[%add3A_27] : memref<323584xi32, #tpu.memory_space<hbm>> -> memref<128xi32, #tpu.memory_space<hbm>>
    tpu.enqueue_dma source(%dma_start3A_29 : memref<128xi32, #tpu.memory_space<hbm>>) target(%arg7 : memref<128xi32, #tpu.memory_space<vmem>>) target_semaphore(%arg19 : memref<!tpu.dma_semaphore, #tpu.memory_space<semaphore_mem>>)
    %add3A_30 = arith.constant 128 : i32
    %add3A_31 = arith.addi %mul3A_0, %add3A_30 : i32
    %dma_start3A_32 = tpu.memref_slice %arg3[%add3A_31] : memref<323584xi32, #tpu.memory_space<hbm>> -> memref<128xi32, #tpu.memory_space<hbm>>
    %dma_start3A_33 = tpu.memref_slice %arg3[%add3A_31] : memref<323584xi32, #tpu.memory_space<hbm>> -> memref<128xi32, #tpu.memory_space<hbm>>
    tpu.enqueue_dma source(%dma_start3A_33 : memref<128xi32, #tpu.memory_space<hbm>>) target(%arg9 : memref<128xi32, #tpu.memory_space<vmem>>) target_semaphore(%arg17 : memref<!tpu.dma_semaphore, #tpu.memory_space<semaphore_mem>>)
    %add3A_34 = arith.constant 0 : i32
    %add3A_35 = arith.addi %mul3A_0, %add3A_34 : i32
    %dma_wait3A = tpu.memref_slice %arg4[%add3A_35] : memref<323584xi32, #tpu.memory_space<hbm>> -> memref<128xi32, #tpu.memory_space<hbm>>
    %dma_wait3A_36 = tpu.memref_slice %arg4[%add3A_35] : memref<323584xi32, #tpu.memory_space<hbm>> -> memref<128xi32, #tpu.memory_space<hbm>>
    tpu.wait_dma2 semaphore(%arg18 : memref<!tpu.dma_semaphore, #tpu.memory_space<semaphore_mem>>) src(%dma_wait3A_36 : memref<128xi32, #tpu.memory_space<hbm>>) dst(%arg6 : memref<128xi32, #tpu.memory_space<vmem>>)
    %dma_start3A_37 = arith.constant 0 : i32
    %dma_start3A_38 = arith.constant 0 : i32
    %dma_start3A_39 = tpu.memref_slice %arg12[%dma_start3A_37, %dma_start3A_38] : memref<10240x64xf32, #tpu.memory_space<vmem_shared>> -> memref<10240x64xf32, #tpu.memory_space<vmem_shared>>
    tpu.enqueue_indirect_dma source(%dma_start3A_39 : memref<10240x64xf32, #tpu.memory_space<vmem_shared>>) target(%arg10 : memref<128x64xf32, #tpu.memory_space<vmem>>) offsets(%arg6 : memref<128xi32, #tpu.memory_space<vmem>>) semaphore(%arg14 : memref<!tpu.dma_semaphore, #tpu.memory_space<semaphore_mem>>)
    %add3A_40 = arith.constant 128 : i32
    %add3A_41 = arith.addi %mul3A_0, %add3A_40 : i32
    %dma_wait3A_42 = tpu.memref_slice %arg4[%add3A_41] : memref<323584xi32, #tpu.memory_space<hbm>> -> memref<128xi32, #tpu.memory_space<hbm>>
    %dma_wait3A_43 = tpu.memref_slice %arg4[%add3A_41] : memref<323584xi32, #tpu.memory_space<hbm>> -> memref<128xi32, #tpu.memory_space<hbm>>
    tpu.wait_dma2 semaphore(%arg19 : memref<!tpu.dma_semaphore, #tpu.memory_space<semaphore_mem>>) src(%dma_wait3A_43 : memref<128xi32, #tpu.memory_space<hbm>>) dst(%arg7 : memref<128xi32, #tpu.memory_space<vmem>>)
    %dma_start3A_44 = arith.constant 0 : i32
    %dma_start3A_45 = arith.constant 0 : i32
    %dma_start3A_46 = tpu.memref_slice %arg12[%dma_start3A_44, %dma_start3A_45] : memref<10240x64xf32, #tpu.memory_space<vmem_shared>> -> memref<10240x64xf32, #tpu.memory_space<vmem_shared>>
    tpu.enqueue_indirect_dma source(%dma_start3A_46 : memref<10240x64xf32, #tpu.memory_space<vmem_shared>>) target(%arg11 : memref<128x64xf32, #tpu.memory_space<vmem>>) offsets(%arg7 : memref<128xi32, #tpu.memory_space<vmem>>) semaphore(%arg15 : memref<!tpu.dma_semaphore, #tpu.memory_space<semaphore_mem>>)
    %scan3A_47 = arith.constant 0 : i32
    %scan3A_48 = arith.constant 79 : i32
    %scan3A_49 = arith.addi %scan3A_47, %scan3A_48 : i32
    %scan3A_50 = arith.constant 1 : i32
    scf.for %scan3A_57 = %scan3A_47 to %scan3A_49 step %scan3A_50  : i32 {
      %mul3A_58 = arith.constant 2 : i32
      %mul3A_59 = arith.muli %scan3A_57, %mul3A_58 : i32
      %add3A_60 = arith.constant 0 : i32
      %add3A_61 = arith.addi %add3A_60, %mul3A_59 : i32
      %dma_wait3A_62 = arith.constant 0 : i32
      %dma_wait3A_63 = arith.constant 0 : i32
      %dma_wait3A_64 = tpu.memref_slice %arg12[%dma_wait3A_62, %dma_wait3A_63] : memref<10240x64xf32, #tpu.memory_space<vmem_shared>> -> memref<10240x64xf32, #tpu.memory_space<vmem_shared>>
      tpu.wait_indirect_dma semaphore(%arg14 : memref<!tpu.dma_semaphore, #tpu.memory_space<semaphore_mem>>) src(%dma_wait3A_64 : memref<10240x64xf32, #tpu.memory_space<vmem_shared>>) dst(%arg10 : memref<128x64xf32, #tpu.memory_space<vmem>>)
      %mul3A_65 = arith.constant 128 : i32
      %mul3A_66 = arith.muli %add3A_61, %mul3A_65 : i32
      %add3A_67 = arith.addi %mul3A_0, %mul3A_66 : i32
      %dma_wait3A_68 = tpu.memref_slice %arg3[%add3A_67] : memref<323584xi32, #tpu.memory_space<hbm>> -> memref<128xi32, #tpu.memory_space<hbm>>
      %dma_wait3A_69 = tpu.memref_slice %arg3[%add3A_67] : memref<323584xi32, #tpu.memory_space<hbm>> -> memref<128xi32, #tpu.memory_space<hbm>>
      tpu.wait_dma2 semaphore(%arg16 : memref<!tpu.dma_semaphore, #tpu.memory_space<semaphore_mem>>) src(%dma_wait3A_69 : memref<128xi32, #tpu.memory_space<hbm>>) dst(%arg8 : memref<128xi32, #tpu.memory_space<vmem>>)
      %add3A_70 = arith.constant 2 : i32
      %add3A_71 = arith.addi %add3A_61, %add3A_70 : i32
      %lt3A = arith.constant 158 : i32
      %lt3A_72 = arith.cmpi slt, %add3A_71, %lt3A : i32
      %convert_element_type3A = arith.extui %lt3A_72 : i1 to i32
      %cond3A = arith.constant 0 : i32
      %cond3A_73 = arith.cmpi ne, %convert_element_type3A, %cond3A : i32
      scf.if %cond3A_73 {
        %add3A_105 = arith.constant 2 : i32
        %add3A_106 = arith.addi %add3A_61, %add3A_105 : i32
        %mul3A_107 = arith.constant 128 : i32
        %mul3A_108 = arith.muli %add3A_106, %mul3A_107 : i32
        %add3A_109 = arith.addi %mul3A_0, %mul3A_108 : i32
        %dma_start3A_110 = tpu.memref_slice %arg4[%add3A_109] : memref<323584xi32, #tpu.memory_space<hbm>> -> memref<128xi32, #tpu.memory_space<hbm>>
        %dma_start3A_111 = tpu.memref_slice %arg4[%add3A_109] : memref<323584xi32, #tpu.memory_space<hbm>> -> memref<128xi32, #tpu.memory_space<hbm>>
        tpu.enqueue_dma source(%dma_start3A_111 : memref<128xi32, #tpu.memory_space<hbm>>) target(%arg6 : memref<128xi32, #tpu.memory_space<vmem>>) target_semaphore(%arg18 : memref<!tpu.dma_semaphore, #tpu.memory_space<semaphore_mem>>)
      } else {
      }
      "tpu.region"() ({
        %run_scoped3A = tpu.sem_alloc : memref<!tpu.dma_semaphore, #tpu.memory_space<semaphore_mem>>
        %dma_start3A_105 = arith.constant 0 : i32
        %dma_start3A_106 = arith.constant 0 : i32
        %dma_start3A_107 = tpu.memref_slice %arg13[%dma_start3A_105, %dma_start3A_106] : memref<10240x64xf32, #tpu.memory_space<vmem_shared>> -> memref<10240x64xf32, #tpu.memory_space<vmem_shared>>
        tpu.enqueue_indirect_dma source(%arg10 : memref<128x64xf32, #tpu.memory_space<vmem>>) target(%dma_start3A_107 : memref<10240x64xf32, #tpu.memory_space<vmem_shared>>) offsets(%arg8 : memref<128xi32, #tpu.memory_space<vmem>>) semaphore(%run_scoped3A : memref<!tpu.dma_semaphore, #tpu.memory_space<semaphore_mem>>) {add = true}
        %dma_wait3A_108 = arith.constant 0 : i32
        %dma_wait3A_109 = arith.constant 0 : i32
        %dma_wait3A_110 = tpu.memref_slice %arg13[%dma_wait3A_108, %dma_wait3A_109] : memref<10240x64xf32, #tpu.memory_space<vmem_shared>> -> memref<10240x64xf32, #tpu.memory_space<vmem_shared>>
        tpu.wait_indirect_dma semaphore(%run_scoped3A : memref<!tpu.dma_semaphore, #tpu.memory_space<semaphore_mem>>) src(%arg10 : memref<128x64xf32, #tpu.memory_space<vmem>>) dst(%dma_wait3A_110 : memref<10240x64xf32, #tpu.memory_space<vmem_shared>>)
        tpu.yield
      }) : () -> ()
      %add3A_74 = arith.constant 2 : i32
      %add3A_75 = arith.addi %add3A_61, %add3A_74 : i32
      %lt3A_76 = arith.constant 158 : i32
      %lt3A_77 = arith.cmpi slt, %add3A_75, %lt3A_76 : i32
      %convert_element_type3A_78 = arith.extui %lt3A_77 : i1 to i32
      %cond3A_79 = arith.constant 0 : i32
      %cond3A_80 = arith.cmpi ne, %convert_element_type3A_78, %cond3A_79 : i32
      scf.if %cond3A_80 {
        %add3A_105 = arith.constant 2 : i32
        %add3A_106 = arith.addi %add3A_61, %add3A_105 : i32
        %mul3A_107 = arith.constant 128 : i32
        %mul3A_108 = arith.muli %add3A_106, %mul3A_107 : i32
        %add3A_109 = arith.addi %mul3A_0, %mul3A_108 : i32
        %dma_start3A_110 = tpu.memref_slice %arg3[%add3A_109] : memref<323584xi32, #tpu.memory_space<hbm>> -> memref<128xi32, #tpu.memory_space<hbm>>
        %dma_start3A_111 = tpu.memref_slice %arg3[%add3A_109] : memref<323584xi32, #tpu.memory_space<hbm>> -> memref<128xi32, #tpu.memory_space<hbm>>
        tpu.enqueue_dma source(%dma_start3A_111 : memref<128xi32, #tpu.memory_space<hbm>>) target(%arg8 : memref<128xi32, #tpu.memory_space<vmem>>) target_semaphore(%arg16 : memref<!tpu.dma_semaphore, #tpu.memory_space<semaphore_mem>>)
        %add3A_112 = arith.constant 2 : i32
        %add3A_113 = arith.addi %add3A_61, %add3A_112 : i32
        %mul3A_114 = arith.constant 128 : i32
        %mul3A_115 = arith.muli %add3A_113, %mul3A_114 : i32
        %add3A_116 = arith.addi %mul3A_0, %mul3A_115 : i32
        %dma_wait3A_117 = tpu.memref_slice %arg4[%add3A_116] : memref<323584xi32, #tpu.memory_space<hbm>> -> memref<128xi32, #tpu.memory_space<hbm>>
        %dma_wait3A_118 = tpu.memref_slice %arg4[%add3A_116] : memref<323584xi32, #tpu.memory_space<hbm>> -> memref<128xi32, #tpu.memory_space<hbm>>
        tpu.wait_dma2 semaphore(%arg18 : memref<!tpu.dma_semaphore, #tpu.memory_space<semaphore_mem>>) src(%dma_wait3A_118 : memref<128xi32, #tpu.memory_space<hbm>>) dst(%arg6 : memref<128xi32, #tpu.memory_space<vmem>>)
        %dma_start3A_119 = arith.constant 0 : i32
        %dma_start3A_120 = arith.constant 0 : i32
        %dma_start3A_121 = tpu.memref_slice %arg12[%dma_start3A_119, %dma_start3A_120] : memref<10240x64xf32, #tpu.memory_space<vmem_shared>> -> memref<10240x64xf32, #tpu.memory_space<vmem_shared>>
        tpu.enqueue_indirect_dma source(%dma_start3A_121 : memref<10240x64xf32, #tpu.memory_space<vmem_shared>>) target(%arg10 : memref<128x64xf32, #tpu.memory_space<vmem>>) offsets(%arg6 : memref<128xi32, #tpu.memory_space<vmem>>) semaphore(%arg14 : memref<!tpu.dma_semaphore, #tpu.memory_space<semaphore_mem>>)
      } else {
      }
      %dma_wait3A_81 = arith.constant 0 : i32
      %dma_wait3A_82 = arith.constant 0 : i32
      %dma_wait3A_83 = tpu.memref_slice %arg12[%dma_wait3A_81, %dma_wait3A_82] : memref<10240x64xf32, #tpu.memory_space<vmem_shared>> -> memref<10240x64xf32, #tpu.memory_space<vmem_shared>>
      tpu.wait_indirect_dma semaphore(%arg15 : memref<!tpu.dma_semaphore, #tpu.memory_space<semaphore_mem>>) src(%dma_wait3A_83 : memref<10240x64xf32, #tpu.memory_space<vmem_shared>>) dst(%arg11 : memref<128x64xf32, #tpu.memory_space<vmem>>)
      %add3A_84 = arith.constant 1 : i32
      %add3A_85 = arith.addi %add3A_61, %add3A_84 : i32
      %mul3A_86 = arith.constant 128 : i32
      %mul3A_87 = arith.muli %add3A_85, %mul3A_86 : i32
      %add3A_88 = arith.addi %mul3A_0, %mul3A_87 : i32
      %dma_wait3A_89 = tpu.memref_slice %arg3[%add3A_88] : memref<323584xi32, #tpu.memory_space<hbm>> -> memref<128xi32, #tpu.memory_space<hbm>>
      %dma_wait3A_90 = tpu.memref_slice %arg3[%add3A_88] : memref<323584xi32, #tpu.memory_space<hbm>> -> memref<128xi32, #tpu.memory_space<hbm>>
      tpu.wait_dma2 semaphore(%arg17 : memref<!tpu.dma_semaphore, #tpu.memory_space<semaphore_mem>>) src(%dma_wait3A_90 : memref<128xi32, #tpu.memory_space<hbm>>) dst(%arg9 : memref<128xi32, #tpu.memory_space<vmem>>)
      %add3A_91 = arith.constant 3 : i32
      %add3A_92 = arith.addi %add3A_61, %add3A_91 : i32
      %lt3A_93 = arith.constant 158 : i32
      %lt3A_94 = arith.cmpi slt, %add3A_92, %lt3A_93 : i32
      %convert_element_type3A_95 = arith.extui %lt3A_94 : i1 to i32
      %cond3A_96 = arith.constant 0 : i32
      %cond3A_97 = arith.cmpi ne, %convert_element_type3A_95, %cond3A_96 : i32
      scf.if %cond3A_97 {
        %add3A_105 = arith.constant 3 : i32
        %add3A_106 = arith.addi %add3A_61, %add3A_105 : i32
        %mul3A_107 = arith.constant 128 : i32
        %mul3A_108 = arith.muli %add3A_106, %mul3A_107 : i32
        %add3A_109 = arith.addi %mul3A_0, %mul3A_108 : i32
        %dma_start3A_110 = tpu.memref_slice %arg4[%add3A_109] : memref<323584xi32, #tpu.memory_space<hbm>> -> memref<128xi32, #tpu.memory_space<hbm>>
        %dma_start3A_111 = tpu.memref_slice %arg4[%add3A_109] : memref<323584xi32, #tpu.memory_space<hbm>> -> memref<128xi32, #tpu.memory_space<hbm>>
        tpu.enqueue_dma source(%dma_start3A_111 : memref<128xi32, #tpu.memory_space<hbm>>) target(%arg7 : memref<128xi32, #tpu.memory_space<vmem>>) target_semaphore(%arg19 : memref<!tpu.dma_semaphore, #tpu.memory_space<semaphore_mem>>)
      } else {
      }
      "tpu.region"() ({
        %run_scoped3A = tpu.sem_alloc : memref<!tpu.dma_semaphore, #tpu.memory_space<semaphore_mem>>
        %dma_start3A_105 = arith.constant 0 : i32
        %dma_start3A_106 = arith.constant 0 : i32
        %dma_start3A_107 = tpu.memref_slice %arg13[%dma_start3A_105, %dma_start3A_106] : memref<10240x64xf32, #tpu.memory_space<vmem_shared>> -> memref<10240x64xf32, #tpu.memory_space<vmem_shared>>
        tpu.enqueue_indirect_dma source(%arg11 : memref<128x64xf32, #tpu.memory_space<vmem>>) target(%dma_start3A_107 : memref<10240x64xf32, #tpu.memory_space<vmem_shared>>) offsets(%arg9 : memref<128xi32, #tpu.memory_space<vmem>>) semaphore(%run_scoped3A : memref<!tpu.dma_semaphore, #tpu.memory_space<semaphore_mem>>) {add = true}
        %dma_wait3A_108 = arith.constant 0 : i32
        %dma_wait3A_109 = arith.constant 0 : i32
        %dma_wait3A_110 = tpu.memref_slice %arg13[%dma_wait3A_108, %dma_wait3A_109] : memref<10240x64xf32, #tpu.memory_space<vmem_shared>> -> memref<10240x64xf32, #tpu.memory_space<vmem_shared>>
        tpu.wait_indirect_dma semaphore(%run_scoped3A : memref<!tpu.dma_semaphore, #tpu.memory_space<semaphore_mem>>) src(%arg11 : memref<128x64xf32, #tpu.memory_space<vmem>>) dst(%dma_wait3A_110 : memref<10240x64xf32, #tpu.memory_space<vmem_shared>>)
        tpu.yield
      }) : () -> ()
      %add3A_98 = arith.constant 3 : i32
      %add3A_99 = arith.addi %add3A_61, %add3A_98 : i32
      %lt3A_100 = arith.constant 158 : i32
      %lt3A_101 = arith.cmpi slt, %add3A_99, %lt3A_100 : i32
      %convert_element_type3A_102 = arith.extui %lt3A_101 : i1 to i32
      %cond3A_103 = arith.constant 0 : i32
      %cond3A_104 = arith.cmpi ne, %convert_element_type3A_102, %cond3A_103 : i32
      scf.if %cond3A_104 {
        %add3A_105 = arith.constant 3 : i32
        %add3A_106 = arith.addi %add3A_61, %add3A_105 : i32
        %mul3A_107 = arith.constant 128 : i32
        %mul3A_108 = arith.muli %add3A_106, %mul3A_107 : i32
        %add3A_109 = arith.addi %mul3A_0, %mul3A_108 : i32
        %dma_start3A_110 = tpu.memref_slice %arg3[%add3A_109] : memref<323584xi32, #tpu.memory_space<hbm>> -> memref<128xi32, #tpu.memory_space<hbm>>
        %dma_start3A_111 = tpu.memref_slice %arg3[%add3A_109] : memref<323584xi32, #tpu.memory_space<hbm>> -> memref<128xi32, #tpu.memory_space<hbm>>
        tpu.enqueue_dma source(%dma_start3A_111 : memref<128xi32, #tpu.memory_space<hbm>>) target(%arg9 : memref<128xi32, #tpu.memory_space<vmem>>) target_semaphore(%arg17 : memref<!tpu.dma_semaphore, #tpu.memory_space<semaphore_mem>>)
        %add3A_112 = arith.constant 3 : i32
        %add3A_113 = arith.addi %add3A_61, %add3A_112 : i32
        %mul3A_114 = arith.constant 128 : i32
        %mul3A_115 = arith.muli %add3A_113, %mul3A_114 : i32
        %add3A_116 = arith.addi %mul3A_0, %mul3A_115 : i32
        %dma_wait3A_117 = tpu.memref_slice %arg4[%add3A_116] : memref<323584xi32, #tpu.memory_space<hbm>> -> memref<128xi32, #tpu.memory_space<hbm>>
        %dma_wait3A_118 = tpu.memref_slice %arg4[%add3A_116] : memref<323584xi32, #tpu.memory_space<hbm>> -> memref<128xi32, #tpu.memory_space<hbm>>
        tpu.wait_dma2 semaphore(%arg19 : memref<!tpu.dma_semaphore, #tpu.memory_space<semaphore_mem>>) src(%dma_wait3A_118 : memref<128xi32, #tpu.memory_space<hbm>>) dst(%arg7 : memref<128xi32, #tpu.memory_space<vmem>>)
        %dma_start3A_119 = arith.constant 0 : i32
        %dma_start3A_120 = arith.constant 0 : i32
        %dma_start3A_121 = tpu.memref_slice %arg12[%dma_start3A_119, %dma_start3A_120] : memref<10240x64xf32, #tpu.memory_space<vmem_shared>> -> memref<10240x64xf32, #tpu.memory_space<vmem_shared>>
        tpu.enqueue_indirect_dma source(%dma_start3A_121 : memref<10240x64xf32, #tpu.memory_space<vmem_shared>>) target(%arg11 : memref<128x64xf32, #tpu.memory_space<vmem>>) offsets(%arg7 : memref<128xi32, #tpu.memory_space<vmem>>) semaphore(%arg15 : memref<!tpu.dma_semaphore, #tpu.memory_space<semaphore_mem>>)
      } else {
      }
    }
    %scan3A_51 = arith.constant 79 : i32
    %barrier3A_52 = arith.constant 0 : index
    tpu.barrier barrier_id(%barrier3A_52)
    %mul3A_53 = arith.constant 640 : i32
    %mul3A_54 = arith.muli %arg1, %mul3A_53 : i32
    %mul3A_55 = arith.constant 640 : i32
    %mul3A_56 = arith.muli %arg1, %mul3A_55 : i32
    "tpu.region"() ({
      %run_scoped3A = tpu.sem_alloc : memref<!tpu.dma_semaphore, #tpu.memory_space<semaphore_mem>>
      %dma_start3A_57 = arith.constant 0 : i32
      %dma_start3A_58 = arith.constant 0 : i32
      %dma_start3A_59 = tpu.memref_slice %arg5[%arg0, %dma_start3A_57, %dma_start3A_58] : memref<2x10240x64xf32, #tpu.memory_space<hbm>> -> memref<1x10240x64xf32, #tpu.memory_space<hbm>>
      %dma_start3A_60 = tpu.memref_squeeze %dma_start3A_59 : memref<1x10240x64xf32, #tpu.memory_space<hbm>> -> memref<10240x64xf32, #tpu.memory_space<hbm>>
      %dma_start3A_61 = arith.constant 0 : i32
      %dma_start3A_62 = tpu.memref_slice %dma_start3A_60[%mul3A_56, %dma_start3A_61] : memref<10240x64xf32, #tpu.memory_space<hbm>> -> memref<640x64xf32, #tpu.memory_space<hbm>>
      %dma_start3A_63 = arith.constant 0 : i32
      %dma_start3A_64 = tpu.memref_slice %arg13[%mul3A_54, %dma_start3A_63] : memref<10240x64xf32, #tpu.memory_space<vmem_shared>> -> memref<640x64xf32, #tpu.memory_space<vmem_shared>>
      tpu.enqueue_dma source(%dma_start3A_64 : memref<640x64xf32, #tpu.memory_space<vmem_shared>>) target(%dma_start3A_62 : memref<640x64xf32, #tpu.memory_space<hbm>>) target_semaphore(%run_scoped3A : memref<!tpu.dma_semaphore, #tpu.memory_space<semaphore_mem>>)
      %dma_wait3A_65 = arith.constant 0 : i32
      %dma_wait3A_66 = arith.constant 0 : i32
      %dma_wait3A_67 = tpu.memref_slice %arg5[%arg0, %dma_wait3A_65, %dma_wait3A_66] : memref<2x10240x64xf32, #tpu.memory_space<hbm>> -> memref<1x10240x64xf32, #tpu.memory_space<hbm>>
      %dma_wait3A_68 = tpu.memref_squeeze %dma_wait3A_67 : memref<1x10240x64xf32, #tpu.memory_space<hbm>> -> memref<10240x64xf32, #tpu.memory_space<hbm>>
      %dma_wait3A_69 = arith.constant 0 : i32
      %dma_wait3A_70 = tpu.memref_slice %dma_wait3A_68[%mul3A_56, %dma_wait3A_69] : memref<10240x64xf32, #tpu.memory_space<hbm>> -> memref<640x64xf32, #tpu.memory_space<hbm>>
      %dma_wait3A_71 = arith.constant 0 : i32
      %dma_wait3A_72 = tpu.memref_slice %arg13[%mul3A_54, %dma_wait3A_71] : memref<10240x64xf32, #tpu.memory_space<vmem_shared>> -> memref<640x64xf32, #tpu.memory_space<vmem_shared>>
      tpu.wait_dma2 semaphore(%run_scoped3A : memref<!tpu.dma_semaphore, #tpu.memory_space<semaphore_mem>>) src(%dma_wait3A_72 : memref<640x64xf32, #tpu.memory_space<vmem_shared>>) dst(%dma_wait3A_70 : memref<640x64xf32, #tpu.memory_space<hbm>>)
      tpu.yield
    }) : () -> ()
    return
  }
}

#map = affine_map<(d0, d1) -> (0, 0)>
#map1 = affine_map<(d0, d1) -> (0)>
#map2 = affine_map<(d0, d1) -> (0, 0, 0)>
module attributes {stable_mosaic.version = 14 : i64} {
  func.func @k(%arg0: i32, %arg1: i32, %arg2: memref<20480x64xf32, #tpu.memory_space<hbm>>, %arg3: memref<323584xi32, #tpu.memory_space<hbm>>, %arg4: memref<323584xi32, #tpu.memory_space<hbm>>, %arg5: memref<2x10240x64xf32, #tpu.memory_space<hbm>>, %arg6: memref<128xi32, #tpu.memory_space<vmem>>, %arg7: memref<128xi32, #tpu.memory_space<vmem>>, %arg8: memref<128xi32, #tpu.memory_space<vmem>>, %arg9: memref<128xi32, #tpu.memory_space<vmem>>, %arg10: memref<128x64xf32, #tpu.memory_space<vmem>>, %arg11: memref<128x64xf32, #tpu.memory_space<vmem>>, %arg12: memref<10240x64xf32, #tpu.memory_space<vmem_shared>>, %arg13: memref<10240x64xf32, #tpu.memory_space<vmem_shared>>, %arg14: memref<!tpu.dma_semaphore, #tpu.memory_space<semaphore_mem>>, %arg15: memref<!tpu.dma_semaphore, #tpu.memory_space<semaphore_mem>>, %arg16: memref<!tpu.dma_semaphore, #tpu.memory_space<semaphore_mem>>, %arg17: memref<!tpu.dma_semaphore, #tpu.memory_space<semaphore_mem>>, %arg18: memref<!tpu.dma_semaphore, #tpu.memory_space<semaphore_mem>>, %arg19: memref<!tpu.dma_semaphore, #tpu.memory_space<semaphore_mem>>) attributes {dimension_semantics = [#tpu.dimension_semantics<core_parallel>, #tpu.dimension_semantics<subcore_parallel>], iteration_bounds = array<i64: 2, 16>, scalar_prefetch = 0 : i64, scratch_operands = 14 : i64, tpu.core_type = #tpu.core_type<sc_vector_subcore>, window_params = [{transform_indices = #map}, {transform_indices = #map1}, {transform_indices = #map1}, {transform_indices = #map2}]} {
    %mul3A = arith.constant 20224 : i32
    %mul3A_0 = arith.muli %arg1, %mul3A : i32
    %mul3A_1 = arith.constant 10240 : i32
    %mul3A_2 = arith.muli %arg0, %mul3A_1 : i32
    %mul3A_3 = arith.constant 640 : i32
    %mul3A_4 = arith.muli %arg1, %mul3A_3 : i32
    %add3A = arith.addi %mul3A_2, %mul3A_4 : i32
    %scan3A = arith.constant 0 : i32
    %scan3A_5 = arith.constant 5 : i32
    %scan3A_6 = arith.addi %scan3A, %scan3A_5 : i32
    %scan3A_7 = arith.constant 1 : i32
    scf.for %scan3A_57 = %scan3A to %scan3A_6 step %scan3A_7  : i32 {
      %mul3A_58 = arith.constant 1 : i32
      %mul3A_59 = arith.muli %scan3A_57, %mul3A_58 : i32
      %add3A_60 = arith.constant 0 : i32
      %add3A_61 = arith.addi %add3A_60, %mul3A_59 : i32
      %mul3A_62 = arith.constant 128 : i32
      %mul3A_63 = arith.muli %add3A_61, %mul3A_62 : i32
      %add3A_64 = arith.addi %add3A, %mul3A_63 : i32
      "tpu.region"() ({
        %run_scoped3A = tpu.sem_alloc : memref<!tpu.dma_semaphore, #tpu.memory_space<semaphore_mem>>
        %dma_start3A_70 = arith.constant 0 : i32
        %dma_start3A_71 = tpu.memref_slice %arg2[%add3A_64, %dma_start3A_70] : memref<20480x64xf32, #tpu.memory_space<hbm>> -> memref<128x64xf32, #tpu.memory_space<hbm>>
        %dma_start3A_72 = arith.constant 0 : i32
        %dma_start3A_73 = tpu.memref_slice %arg2[%add3A_64, %dma_start3A_72] : memref<20480x64xf32, #tpu.memory_space<hbm>> -> memref<128x64xf32, #tpu.memory_space<hbm>>
        tpu.enqueue_dma source(%dma_start3A_73 : memref<128x64xf32, #tpu.memory_space<hbm>>) target(%arg11 : memref<128x64xf32, #tpu.memory_space<vmem>>) target_semaphore(%run_scoped3A : memref<!tpu.dma_semaphore, #tpu.memory_space<semaphore_mem>>)
        %dma_wait3A_74 = arith.constant 0 : i32
        %dma_wait3A_75 = tpu.memref_slice %arg2[%add3A_64, %dma_wait3A_74] : memref<20480x64xf32, #tpu.memory_space<hbm>> -> memref<128x64xf32, #tpu.memory_space<hbm>>
        %dma_wait3A_76 = arith.constant 0 : i32
        %dma_wait3A_77 = tpu.memref_slice %arg2[%add3A_64, %dma_wait3A_76] : memref<20480x64xf32, #tpu.memory_space<hbm>> -> memref<128x64xf32, #tpu.memory_space<hbm>>
        tpu.wait_dma2 semaphore(%run_scoped3A : memref<!tpu.dma_semaphore, #tpu.memory_space<semaphore_mem>>) src(%dma_wait3A_77 : memref<128x64xf32, #tpu.memory_space<hbm>>) dst(%arg11 : memref<128x64xf32, #tpu.memory_space<vmem>>)
        tpu.yield
      }) : () -> ()
      %mul3A_65 = arith.constant 640 : i32
      %mul3A_66 = arith.muli %arg1, %mul3A_65 : i32
      %mul3A_67 = arith.constant 128 : i32
      %mul3A_68 = arith.muli %add3A_61, %mul3A_67 : i32
      %add3A_69 = arith.addi %mul3A_66, %mul3A_68 : i32
      "tpu.region"() ({
        %run_scoped3A = tpu.sem_alloc : memref<!tpu.dma_semaphore, #tpu.memory_space<semaphore_mem>>
        %dma_start3A_70 = arith.constant 0 : i32
        %dma_start3A_71 = tpu.memref_slice %arg12[%add3A_69, %dma_start3A_70] : memref<10240x64xf32, #tpu.memory_space<vmem_shared>> -> memref<128x64xf32, #tpu.memory_space<vmem_shared>>
        %dma_start3A_72 = arith.constant 0 : i32
        %dma_start3A_73 = tpu.memref_slice %arg12[%add3A_69, %dma_start3A_72] : memref<10240x64xf32, #tpu.memory_space<vmem_shared>> -> memref<128x64xf32, #tpu.memory_space<vmem_shared>>
        tpu.enqueue_dma source(%arg11 : memref<128x64xf32, #tpu.memory_space<vmem>>) target(%dma_start3A_73 : memref<128x64xf32, #tpu.memory_space<vmem_shared>>) target_semaphore(%run_scoped3A : memref<!tpu.dma_semaphore, #tpu.memory_space<semaphore_mem>>)
        %dma_wait3A_74 = arith.constant 0 : i32
        %dma_wait3A_75 = tpu.memref_slice %arg12[%add3A_69, %dma_wait3A_74] : memref<10240x64xf32, #tpu.memory_space<vmem_shared>> -> memref<128x64xf32, #tpu.memory_space<vmem_shared>>
        %dma_wait3A_76 = arith.constant 0 : i32
        %dma_wait3A_77 = tpu.memref_slice %arg12[%add3A_69, %dma_wait3A_76] : memref<10240x64xf32, #tpu.memory_space<vmem_shared>> -> memref<128x64xf32, #tpu.memory_space<vmem_shared>>
        tpu.wait_dma2 semaphore(%run_scoped3A : memref<!tpu.dma_semaphore, #tpu.memory_space<semaphore_mem>>) src(%arg11 : memref<128x64xf32, #tpu.memory_space<vmem>>) dst(%dma_wait3A_77 : memref<128x64xf32, #tpu.memory_space<vmem_shared>>)
        tpu.yield
      }) : () -> ()
    }
    %scan3A_8 = arith.constant 5 : i32
    %scan3A_9 = arith.constant 0 : i32
    %scan3A_10 = arith.constant 128 : i32
    %scan3A_11 = arith.addi %scan3A_9, %scan3A_10 : i32
    %scan3A_12 = arith.constant 1 : i32
    scf.for %scan3A_57 = %scan3A_9 to %scan3A_11 step %scan3A_12  : i32 {
      %mul3A_58 = arith.constant 1 : i32
      %mul3A_59 = arith.muli %scan3A_57, %mul3A_58 : i32
      %add3A_60 = arith.constant 0 : i32
      %add3A_61 = arith.addi %add3A_60, %mul3A_59 : i32
      %scan3A_62 = arith.constant 0 : i32
      %scan3A_63 = arith.constant 4 : i32
      %scan3A_64 = arith.addi %scan3A_62, %scan3A_63 : i32
      %scan3A_65 = arith.constant 1 : i32
      scf.for %scan3A_67 = %scan3A_62 to %scan3A_64 step %scan3A_65  : i32 {
        %mul3A_68 = arith.constant 1 : i32
        %mul3A_69 = arith.muli %scan3A_67, %mul3A_68 : i32
        %add3A_70 = arith.constant 0 : i32
        %add3A_71 = arith.addi %add3A_70, %mul3A_69 : i32
        %broadcast_in_dim3A = arith.constant 0.000000e+00 : f32
        %broadcast_in_dim3A_72 = vector.broadcast %broadcast_in_dim3A : f32 to vector<16xf32>
        %mul3A_73 = arith.constant 16 : i32
        %mul3A_74 = arith.muli %add3A_71, %mul3A_73 : i32
        %swap3A = arith.index_cast %add3A_61 : i32 to index
        %swap3A_75 = arith.index_cast %mul3A_74 : i32 to index
        %swap3A_76 = tpu.vector_load %arg10[%swap3A, %swap3A_75] {strides = array<i32>} : memref<128x64xf32, #tpu.memory_space<vmem>>, vector<1x16xf32>,
        %swap3A_77 = vector.shape_cast %swap3A_76 : vector<1x16xf32> to vector<16xf32>
        %swap3A_78 = vector.shape_cast %broadcast_in_dim3A_72 : vector<16xf32> to vector<1x16xf32>
        tpu.vector_store %arg10[%swap3A, %swap3A_75], %swap3A_78 {strides = array<i32>} : memref<128x64xf32, #tpu.memory_space<vmem>>, vector<1x16xf32>,
      }
      %scan3A_66 = arith.constant 4 : i32
    }
    %scan3A_13 = arith.constant 128 : i32
    %scan3A_14 = arith.constant 0 : i32
    %scan3A_15 = arith.constant 5 : i32
    %scan3A_16 = arith.addi %scan3A_14, %scan3A_15 : i32
    %scan3A_17 = arith.constant 1 : i32
    scf.for %scan3A_57 = %scan3A_14 to %scan3A_16 step %scan3A_17  : i32 {
      %mul3A_58 = arith.constant 1 : i32
      %mul3A_59 = arith.muli %scan3A_57, %mul3A_58 : i32
      %add3A_60 = arith.constant 0 : i32
      %add3A_61 = arith.addi %add3A_60, %mul3A_59 : i32
      %mul3A_62 = arith.constant 640 : i32
      %mul3A_63 = arith.muli %arg1, %mul3A_62 : i32
      %mul3A_64 = arith.constant 128 : i32
      %mul3A_65 = arith.muli %add3A_61, %mul3A_64 : i32
      %add3A_66 = arith.addi %mul3A_63, %mul3A_65 : i32
      "tpu.region"() ({
        %run_scoped3A = tpu.sem_alloc : memref<!tpu.dma_semaphore, #tpu.memory_space<semaphore_mem>>
        %dma_start3A_67 = arith.constant 0 : i32
        %dma_start3A_68 = tpu.memref_slice %arg13[%add3A_66, %dma_start3A_67] : memref<10240x64xf32, #tpu.memory_space<vmem_shared>> -> memref<128x64xf32, #tpu.memory_space<vmem_shared>>
        %dma_start3A_69 = arith.constant 0 : i32
        %dma_start3A_70 = tpu.memref_slice %arg13[%add3A_66, %dma_start3A_69] : memref<10240x64xf32, #tpu.memory_space<vmem_shared>> -> memref<128x64xf32, #tpu.memory_space<vmem_shared>>
        tpu.enqueue_dma source(%arg10 : memref<128x64xf32, #tpu.memory_space<vmem>>) target(%dma_start3A_70 : memref<128x64xf32, #tpu.memory_space<vmem_shared>>) target_semaphore(%run_scoped3A : memref<!tpu.dma_semaphore, #tpu.memory_space<semaphore_mem>>)
        %dma_wait3A_71 = arith.constant 0 : i32
        %dma_wait3A_72 = tpu.memref_slice %arg13[%add3A_66, %dma_wait3A_71] : memref<10240x64xf32, #tpu.memory_space<vmem_shared>> -> memref<128x64xf32, #tpu.memory_space<vmem_shared>>
        %dma_wait3A_73 = arith.constant 0 : i32
        %dma_wait3A_74 = tpu.memref_slice %arg13[%add3A_66, %dma_wait3A_73] : memref<10240x64xf32, #tpu.memory_space<vmem_shared>> -> memref<128x64xf32, #tpu.memory_space<vmem_shared>>
        tpu.wait_dma2 semaphore(%run_scoped3A : memref<!tpu.dma_semaphore, #tpu.memory_space<semaphore_mem>>) src(%arg10 : memref<128x64xf32, #tpu.memory_space<vmem>>) dst(%dma_wait3A_74 : memref<128x64xf32, #tpu.memory_space<vmem_shared>>)
        tpu.yield
      }) : () -> ()
    }
    %scan3A_18 = arith.constant 5 : i32
    %barrier3A = arith.constant 0 : index
    tpu.barrier barrier_id(%barrier3A)
    %add3A_19 = arith.constant 0 : i32
    %add3A_20 = arith.addi %mul3A_0, %add3A_19 : i32
    %dma_start3A = tpu.memref_slice %arg4[%add3A_20] : memref<323584xi32, #tpu.memory_space<hbm>> -> memref<128xi32, #tpu.memory_space<hbm>>
    %dma_start3A_21 = tpu.memref_slice %arg4[%add3A_20] : memref<323584xi32, #tpu.memory_space<hbm>> -> memref<128xi32, #tpu.memory_space<hbm>>
    tpu.enqueue_dma source(%dma_start3A_21 : memref<128xi32, #tpu.memory_space<hbm>>) target(%arg6 : memref<128xi32, #tpu.memory_space<vmem>>) target_semaphore(%arg18 : memref<!tpu.dma_semaphore, #tpu.memory_space<semaphore_mem>>)
    %add3A_22 = arith.constant 0 : i32
    %add3A_23 = arith.addi %mul3A_0, %add3A_22 : i32
    %dma_start3A_24 = tpu.memref_slice %arg3[%add3A_23] : memref<323584xi32, #tpu.memory_space<hbm>> -> memref<128xi32, #tpu.memory_space<hbm>>
    %dma_start3A_25 = tpu.memref_slice %arg3[%add3A_23] : memref<323584xi32, #tpu.memory_space<hbm>> -> memref<128xi32, #tpu.memory_space<hbm>>
    tpu.enqueue_dma source(%dma_start3A_25 : memref<128xi32, #tpu.memory_space<hbm>>) target(%arg8 : memref<128xi32, #tpu.memory_space<vmem>>) target_semaphore(%arg16 : memref<!tpu.dma_semaphore, #tpu.memory_space<semaphore_mem>>)
    %add3A_26 = arith.constant 128 : i32
    %add3A_27 = arith.addi %mul3A_0, %add3A_26 : i32
    %dma_start3A_28 = tpu.memref_slice %arg4[%add3A_27] : memref<323584xi32, #tpu.memory_space<hbm>> -> memref<128xi32, #tpu.memory_space<hbm>>
    %dma_start3A_29 = tpu.memref_slice %arg4[%add3A_27] : memref<323584xi32, #tpu.memory_space<hbm>> -> memref<128xi32, #tpu.memory_space<hbm>>
    tpu.enqueue_dma source(%dma_start3A_29 : memref<128xi32, #tpu.memory_space<hbm>>) target(%arg7 : memref<128xi32, #tpu.memory_space<vmem>>) target_semaphore(%arg19 : memref<!tpu.dma_semaphore, #tpu.memory_space<semaphore_mem>>)
    %add3A_30 = arith.constant 128 : i32
    %add3A_31 = arith.addi %mul3A_0, %add3A_30 : i32
    %dma_start3A_32 = tpu.memref_slice %arg3[%add3A_31] : memref<323584xi32, #tpu.memory_space<hbm>> -> memref<128xi32, #tpu.memory_space<hbm>>
    %dma_start3A_33 = tpu.memref_slice %arg3[%add3A_31] : memref<323584xi32, #tpu.memory_space<hbm>> -> memref<128xi32, #tpu.memory_space<hbm>>
    tpu.enqueue_dma source(%dma_start3A_33 : memref<128xi32, #tpu.memory_space<hbm>>) target(%arg9 : memref<128xi32, #tpu.memory_space<vmem>>) target_semaphore(%arg17 : memref<!tpu.dma_semaphore, #tpu.memory_space<semaphore_mem>>)
    %add3A_34 = arith.constant 0 : i32
    %add3A_35 = arith.addi %mul3A_0, %add3A_34 : i32
    %dma_wait3A = tpu.memref_slice %arg4[%add3A_35] : memref<323584xi32, #tpu.memory_space<hbm>> -> memref<128xi32, #tpu.memory_space<hbm>>
    %dma_wait3A_36 = tpu.memref_slice %arg4[%add3A_35] : memref<323584xi32, #tpu.memory_space<hbm>> -> memref<128xi32, #tpu.memory_space<hbm>>
    tpu.wait_dma2 semaphore(%arg18 : memref<!tpu.dma_semaphore, #tpu.memory_space<semaphore_mem>>) src(%dma_wait3A_36 : memref<128xi32, #tpu.memory_space<hbm>>) dst(%arg6 : memref<128xi32, #tpu.memory_space<vmem>>)
    %dma_start3A_37 = arith.constant 0 : i32
    %dma_start3A_38 = arith.constant 0 : i32
    %dma_start3A_39 = tpu.memref_slice %arg12[%dma_start3A_37, %dma_start3A_38] : memref<10240x64xf32, #tpu.memory_space<vmem_shared>> -> memref<10240x64xf32, #tpu.memory_space<vmem_shared>>
    tpu.enqueue_indirect_dma source(%dma_start3A_39 : memref<10240x64xf32, #tpu.memory_space<vmem_shared>>) target(%arg10 : memref<128x64xf32, #tpu.memory_space<vmem>>) offsets(%arg6 : memref<128xi32, #tpu.memory_space<vmem>>) semaphore(%arg14 : memref<!tpu.dma_semaphore, #tpu.memory_space<semaphore_mem>>)
    %add3A_40 = arith.constant 128 : i32
    %add3A_41 = arith.addi %mul3A_0, %add3A_40 : i32
    %dma_wait3A_42 = tpu.memref_slice %arg4[%add3A_41] : memref<323584xi32, #tpu.memory_space<hbm>> -> memref<128xi32, #tpu.memory_space<hbm>>
    %dma_wait3A_43 = tpu.memref_slice %arg4[%add3A_41] : memref<323584xi32, #tpu.memory_space<hbm>> -> memref<128xi32, #tpu.memory_space<hbm>>
    tpu.wait_dma2 semaphore(%arg19 : memref<!tpu.dma_semaphore, #tpu.memory_space<semaphore_mem>>) src(%dma_wait3A_43 : memref<128xi32, #tpu.memory_space<hbm>>) dst(%arg7 : memref<128xi32, #tpu.memory_space<vmem>>)
    %dma_start3A_44 = arith.constant 0 : i32
    %dma_start3A_45 = arith.constant 0 : i32
    %dma_start3A_46 = tpu.memref_slice %arg12[%dma_start3A_44, %dma_start3A_45] : memref<10240x64xf32, #tpu.memory_space<vmem_shared>> -> memref<10240x64xf32, #tpu.memory_space<vmem_shared>>
    tpu.enqueue_indirect_dma source(%dma_start3A_46 : memref<10240x64xf32, #tpu.memory_space<vmem_shared>>) target(%arg11 : memref<128x64xf32, #tpu.memory_space<vmem>>) offsets(%arg7 : memref<128xi32, #tpu.memory_space<vmem>>) semaphore(%arg15 : memref<!tpu.dma_semaphore, #tpu.memory_space<semaphore_mem>>)
    %scan3A_47 = arith.constant 0 : i32
    %scan3A_48 = arith.constant 79 : i32
    %scan3A_49 = arith.addi %scan3A_47, %scan3A_48 : i32
    %scan3A_50 = arith.constant 1 : i32
    scf.for %scan3A_57 = %scan3A_47 to %scan3A_49 step %scan3A_50  : i32 {
      %mul3A_58 = arith.constant 2 : i32
      %mul3A_59 = arith.muli %scan3A_57, %mul3A_58 : i32
      %add3A_60 = arith.constant 0 : i32
      %add3A_61 = arith.addi %add3A_60, %mul3A_59 : i32
      %dma_wait3A_62 = arith.constant 0 : i32
      %dma_wait3A_63 = arith.constant 0 : i32
      %dma_wait3A_64 = tpu.memref_slice %arg12[%dma_wait3A_62, %dma_wait3A_63] : memref<10240x64xf32, #tpu.memory_space<vmem_shared>> -> memref<10240x64xf32, #tpu.memory_space<vmem_shared>>
      tpu.wait_indirect_dma semaphore(%arg14 : memref<!tpu.dma_semaphore, #tpu.memory_space<semaphore_mem>>) src(%dma_wait3A_64 : memref<10240x64xf32, #tpu.memory_space<vmem_shared>>) dst(%arg10 : memref<128x64xf32, #tpu.memory_space<vmem>>)
      %mul3A_65 = arith.constant 128 : i32
      %mul3A_66 = arith.muli %add3A_61, %mul3A_65 : i32
      %add3A_67 = arith.addi %mul3A_0, %mul3A_66 : i32
      %dma_wait3A_68 = tpu.memref_slice %arg3[%add3A_67] : memref<323584xi32, #tpu.memory_space<hbm>> -> memref<128xi32, #tpu.memory_space<hbm>>
      %dma_wait3A_69 = tpu.memref_slice %arg3[%add3A_67] : memref<323584xi32, #tpu.memory_space<hbm>> -> memref<128xi32, #tpu.memory_space<hbm>>
      tpu.wait_dma2 semaphore(%arg16 : memref<!tpu.dma_semaphore, #tpu.memory_space<semaphore_mem>>) src(%dma_wait3A_69 : memref<128xi32, #tpu.memory_space<hbm>>) dst(%arg8 : memref<128xi32, #tpu.memory_space<vmem>>)
      %add3A_70 = arith.constant 2 : i32
      %add3A_71 = arith.addi %add3A_61, %add3A_70 : i32
      %lt3A = arith.constant 158 : i32
      %lt3A_72 = arith.cmpi slt, %add3A_71, %lt3A : i32
      %convert_element_type3A = arith.extui %lt3A_72 : i1 to i32
      %cond3A = arith.constant 0 : i32
      %cond3A_73 = arith.cmpi ne, %convert_element_type3A, %cond3A : i32
      scf.if %cond3A_73 {
        %add3A_105 = arith.constant 2 : i32
        %add3A_106 = arith.addi %add3A_61, %add3A_105 : i32
        %mul3A_107 = arith.constant 128 : i32
        %mul3A_108 = arith.muli %add3A_106, %mul3A_107 : i32
        %add3A_109 = arith.addi %mul3A_0, %mul3A_108 : i32
        %dma_start3A_110 = tpu.memref_slice %arg4[%add3A_109] : memref<323584xi32, #tpu.memory_space<hbm>> -> memref<128xi32, #tpu.memory_space<hbm>>
        %dma_start3A_111 = tpu.memref_slice %arg4[%add3A_109] : memref<323584xi32, #tpu.memory_space<hbm>> -> memref<128xi32, #tpu.memory_space<hbm>>
        tpu.enqueue_dma source(%dma_start3A_111 : memref<128xi32, #tpu.memory_space<hbm>>) target(%arg6 : memref<128xi32, #tpu.memory_space<vmem>>) target_semaphore(%arg18 : memref<!tpu.dma_semaphore, #tpu.memory_space<semaphore_mem>>)
      } else {
      }
      "tpu.region"() ({
        %run_scoped3A = tpu.sem_alloc : memref<!tpu.dma_semaphore, #tpu.memory_space<semaphore_mem>>
        %dma_start3A_105 = arith.constant 0 : i32
        %dma_start3A_106 = arith.constant 0 : i32
        %dma_start3A_107 = tpu.memref_slice %arg13[%dma_start3A_105, %dma_start3A_106] : memref<10240x64xf32, #tpu.memory_space<vmem_shared>> -> memref<10240x64xf32, #tpu.memory_space<vmem_shared>>
        tpu.enqueue_indirect_dma source(%arg10 : memref<128x64xf32, #tpu.memory_space<vmem>>) target(%dma_start3A_107 : memref<10240x64xf32, #tpu.memory_space<vmem_shared>>) offsets(%arg8 : memref<128xi32, #tpu.memory_space<vmem>>) semaphore(%run_scoped3A : memref<!tpu.dma_semaphore, #tpu.memory_space<semaphore_mem>>) {add = true}
        %dma_wait3A_108 = arith.constant 0 : i32
        %dma_wait3A_109 = arith.constant 0 : i32
        %dma_wait3A_110 = tpu.memref_slice %arg13[%dma_wait3A_108, %dma_wait3A_109] : memref<10240x64xf32, #tpu.memory_space<vmem_shared>> -> memref<10240x64xf32, #tpu.memory_space<vmem_shared>>
        tpu.wait_indirect_dma semaphore(%run_scoped3A : memref<!tpu.dma_semaphore, #tpu.memory_space<semaphore_mem>>) src(%arg10 : memref<128x64xf32, #tpu.memory_space<vmem>>) dst(%dma_wait3A_110 : memref<10240x64xf32, #tpu.memory_space<vmem_shared>>)
        tpu.yield
      }) : () -> ()
      %add3A_74 = arith.constant 2 : i32
      %add3A_75 = arith.addi %add3A_61, %add3A_74 : i32
      %lt3A_76 = arith.constant 158 : i32
      %lt3A_77 = arith.cmpi slt, %add3A_75, %lt3A_76 : i32
      %convert_element_type3A_78 = arith.extui %lt3A_77 : i1 to i32
      %cond3A_79 = arith.constant 0 : i32
      %cond3A_80 = arith.cmpi ne, %convert_element_type3A_78, %cond3A_79 : i32
      scf.if %cond3A_80 {
        %add3A_105 = arith.constant 2 : i32
        %add3A_106 = arith.addi %add3A_61, %add3A_105 : i32
        %mul3A_107 = arith.constant 128 : i32
        %mul3A_108 = arith.muli %add3A_106, %mul3A_107 : i32
        %add3A_109 = arith.addi %mul3A_0, %mul3A_108 : i32
        %dma_start3A_110 = tpu.memref_slice %arg3[%add3A_109] : memref<323584xi32, #tpu.memory_space<hbm>> -> memref<128xi32, #tpu.memory_space<hbm>>
        %dma_start3A_111 = tpu.memref_slice %arg3[%add3A_109] : memref<323584xi32, #tpu.memory_space<hbm>> -> memref<128xi32, #tpu.memory_space<hbm>>
        tpu.enqueue_dma source(%dma_start3A_111 : memref<128xi32, #tpu.memory_space<hbm>>) target(%arg8 : memref<128xi32, #tpu.memory_space<vmem>>) target_semaphore(%arg16 : memref<!tpu.dma_semaphore, #tpu.memory_space<semaphore_mem>>)
        %add3A_112 = arith.constant 2 : i32
        %add3A_113 = arith.addi %add3A_61, %add3A_112 : i32
        %mul3A_114 = arith.constant 128 : i32
        %mul3A_115 = arith.muli %add3A_113, %mul3A_114 : i32
        %add3A_116 = arith.addi %mul3A_0, %mul3A_115 : i32
        %dma_wait3A_117 = tpu.memref_slice %arg4[%add3A_116] : memref<323584xi32, #tpu.memory_space<hbm>> -> memref<128xi32, #tpu.memory_space<hbm>>
        %dma_wait3A_118 = tpu.memref_slice %arg4[%add3A_116] : memref<323584xi32, #tpu.memory_space<hbm>> -> memref<128xi32, #tpu.memory_space<hbm>>
        tpu.wait_dma2 semaphore(%arg18 : memref<!tpu.dma_semaphore, #tpu.memory_space<semaphore_mem>>) src(%dma_wait3A_118 : memref<128xi32, #tpu.memory_space<hbm>>) dst(%arg6 : memref<128xi32, #tpu.memory_space<vmem>>)
        %dma_start3A_119 = arith.constant 0 : i32
        %dma_start3A_120 = arith.constant 0 : i32
        %dma_start3A_121 = tpu.memref_slice %arg12[%dma_start3A_119, %dma_start3A_120] : memref<10240x64xf32, #tpu.memory_space<vmem_shared>> -> memref<10240x64xf32, #tpu.memory_space<vmem_shared>>
        tpu.enqueue_indirect_dma source(%dma_start3A_121 : memref<10240x64xf32, #tpu.memory_space<vmem_shared>>) target(%arg10 : memref<128x64xf32, #tpu.memory_space<vmem>>) offsets(%arg6 : memref<128xi32, #tpu.memory_space<vmem>>) semaphore(%arg14 : memref<!tpu.dma_semaphore, #tpu.memory_space<semaphore_mem>>)
      } else {
      }
      %dma_wait3A_81 = arith.constant 0 : i32
      %dma_wait3A_82 = arith.constant 0 : i32
      %dma_wait3A_83 = tpu.memref_slice %arg12[%dma_wait3A_81, %dma_wait3A_82] : memref<10240x64xf32, #tpu.memory_space<vmem_shared>> -> memref<10240x64xf32, #tpu.memory_space<vmem_shared>>
      tpu.wait_indirect_dma semaphore(%arg15 : memref<!tpu.dma_semaphore, #tpu.memory_space<semaphore_mem>>) src(%dma_wait3A_83 : memref<10240x64xf32, #tpu.memory_space<vmem_shared>>) dst(%arg11 : memref<128x64xf32, #tpu.memory_space<vmem>>)
      %add3A_84 = arith.constant 1 : i32
      %add3A_85 = arith.addi %add3A_61, %add3A_84 : i32
      %mul3A_86 = arith.constant 128 : i32
      %mul3A_87 = arith.muli %add3A_85, %mul3A_86 : i32
      %add3A_88 = arith.addi %mul3A_0, %mul3A_87 : i32
      %dma_wait3A_89 = tpu.memref_slice %arg3[%add3A_88] : memref<323584xi32, #tpu.memory_space<hbm>> -> memref<128xi32, #tpu.memory_space<hbm>>
      %dma_wait3A_90 = tpu.memref_slice %arg3[%add3A_88] : memref<323584xi32, #tpu.memory_space<hbm>> -> memref<128xi32, #tpu.memory_space<hbm>>
      tpu.wait_dma2 semaphore(%arg17 : memref<!tpu.dma_semaphore, #tpu.memory_space<semaphore_mem>>) src(%dma_wait3A_90 : memref<128xi32, #tpu.memory_space<hbm>>) dst(%arg9 : memref<128xi32, #tpu.memory_space<vmem>>)
      %add3A_91 = arith.constant 3 : i32
      %add3A_92 = arith.addi %add3A_61, %add3A_91 : i32
      %lt3A_93 = arith.constant 158 : i32
      %lt3A_94 = arith.cmpi slt, %add3A_92, %lt3A_93 : i32
      %convert_element_type3A_95 = arith.extui %lt3A_94 : i1 to i32
      %cond3A_96 = arith.constant 0 : i32
      %cond3A_97 = arith.cmpi ne, %convert_element_type3A_95, %cond3A_96 : i32
      scf.if %cond3A_97 {
        %add3A_105 = arith.constant 3 : i32
        %add3A_106 = arith.addi %add3A_61, %add3A_105 : i32
        %mul3A_107 = arith.constant 128 : i32
        %mul3A_108 = arith.muli %add3A_106, %mul3A_107 : i32
        %add3A_109 = arith.addi %mul3A_0, %mul3A_108 : i32
        %dma_start3A_110 = tpu.memref_slice %arg4[%add3A_109] : memref<323584xi32, #tpu.memory_space<hbm>> -> memref<128xi32, #tpu.memory_space<hbm>>
        %dma_start3A_111 = tpu.memref_slice %arg4[%add3A_109] : memref<323584xi32, #tpu.memory_space<hbm>> -> memref<128xi32, #tpu.memory_space<hbm>>
        tpu.enqueue_dma source(%dma_start3A_111 : memref<128xi32, #tpu.memory_space<hbm>>) target(%arg7 : memref<128xi32, #tpu.memory_space<vmem>>) target_semaphore(%arg19 : memref<!tpu.dma_semaphore, #tpu.memory_space<semaphore_mem>>)
      } else {
      }
      "tpu.region"() ({
        %run_scoped3A = tpu.sem_alloc : memref<!tpu.dma_semaphore, #tpu.memory_space<semaphore_mem>>
        %dma_start3A_105 = arith.constant 0 : i32
        %dma_start3A_106 = arith.constant 0 : i32
        %dma_start3A_107 = tpu.memref_slice %arg13[%dma_start3A_105, %dma_start3A_106] : memref<10240x64xf32, #tpu.memory_space<vmem_shared>> -> memref<10240x64xf32, #tpu.memory_space<vmem_shared>>
        tpu.enqueue_indirect_dma source(%arg11 : memref<128x64xf32, #tpu.memory_space<vmem>>) target(%dma_start3A_107 : memref<10240x64xf32, #tpu.memory_space<vmem_shared>>) offsets(%arg9 : memref<128xi32, #tpu.memory_space<vmem>>) semaphore(%run_scoped3A : memref<!tpu.dma_semaphore, #tpu.memory_space<semaphore_mem>>) {add = true}
        %dma_wait3A_108 = arith.constant 0 : i32
        %dma_wait3A_109 = arith.constant 0 : i32
        %dma_wait3A_110 = tpu.memref_slice %arg13[%dma_wait3A_108, %dma_wait3A_109] : memref<10240x64xf32, #tpu.memory_space<vmem_shared>> -> memref<10240x64xf32, #tpu.memory_space<vmem_shared>>
        tpu.wait_indirect_dma semaphore(%run_scoped3A : memref<!tpu.dma_semaphore, #tpu.memory_space<semaphore_mem>>) src(%arg11 : memref<128x64xf32, #tpu.memory_space<vmem>>) dst(%dma_wait3A_110 : memref<10240x64xf32, #tpu.memory_space<vmem_shared>>)
        tpu.yield
      }) : () -> ()
      %add3A_98 = arith.constant 3 : i32
      %add3A_99 = arith.addi %add3A_61, %add3A_98 : i32
      %lt3A_100 = arith.constant 158 : i32
      %lt3A_101 = arith.cmpi slt, %add3A_99, %lt3A_100 : i32
      %convert_element_type3A_102 = arith.extui %lt3A_101 : i1 to i32
      %cond3A_103 = arith.constant 0 : i32
      %cond3A_104 = arith.cmpi ne, %convert_element_type3A_102, %cond3A_103 : i32
      scf.if %cond3A_104 {
        %add3A_105 = arith.constant 3 : i32
        %add3A_106 = arith.addi %add3A_61, %add3A_105 : i32
        %mul3A_107 = arith.constant 128 : i32
        %mul3A_108 = arith.muli %add3A_106, %mul3A_107 : i32
        %add3A_109 = arith.addi %mul3A_0, %mul3A_108 : i32
        %dma_start3A_110 = tpu.memref_slice %arg3[%add3A_109] : memref<323584xi32, #tpu.memory_space<hbm>> -> memref<128xi32, #tpu.memory_space<hbm>>
        %dma_start3A_111 = tpu.memref_slice %arg3[%add3A_109] : memref<323584xi32, #tpu.memory_space<hbm>> -> memref<128xi32, #tpu.memory_space<hbm>>
        tpu.enqueue_dma source(%dma_start3A_111 : memref<128xi32, #tpu.memory_space<hbm>>) target(%arg9 : memref<128xi32, #tpu.memory_space<vmem>>) target_semaphore(%arg17 : memref<!tpu.dma_semaphore, #tpu.memory_space<semaphore_mem>>)
        %add3A_112 = arith.constant 3 : i32
        %add3A_113 = arith.addi %add3A_61, %add3A_112 : i32
        %mul3A_114 = arith.constant 128 : i32
        %mul3A_115 = arith.muli %add3A_113, %mul3A_114 : i32
        %add3A_116 = arith.addi %mul3A_0, %mul3A_115 : i32
        %dma_wait3A_117 = tpu.memref_slice %arg4[%add3A_116] : memref<323584xi32, #tpu.memory_space<hbm>> -> memref<128xi32, #tpu.memory_space<hbm>>
        %dma_wait3A_118 = tpu.memref_slice %arg4[%add3A_116] : memref<323584xi32, #tpu.memory_space<hbm>> -> memref<128xi32, #tpu.memory_space<hbm>>
        tpu.wait_dma2 semaphore(%arg19 : memref<!tpu.dma_semaphore, #tpu.memory_space<semaphore_mem>>) src(%dma_wait3A_118 : memref<128xi32, #tpu.memory_space<hbm>>) dst(%arg7 : memref<128xi32, #tpu.memory_space<vmem>>)
        %dma_start3A_119 = arith.constant 0 : i32
        %dma_start3A_120 = arith.constant 0 : i32
        %dma_start3A_121 = tpu.memref_slice %arg12[%dma_start3A_119, %dma_start3A_120] : memref<10240x64xf32, #tpu.memory_space<vmem_shared>> -> memref<10240x64xf32, #tpu.memory_space<vmem_shared>>
        tpu.enqueue_indirect_dma source(%dma_start3A_121 : memref<10240x64xf32, #tpu.memory_space<vmem_shared>>) target(%arg11 : memref<128x64xf32, #tpu.memory_space<vmem>>) offsets(%arg7 : memref<128xi32, #tpu.memory_space<vmem>>) semaphore(%arg15 : memref<!tpu.dma_semaphore, #tpu.memory_space<semaphore_mem>>)
      } else {
      }
    }
    %scan3A_51 = arith.constant 79 : i32
    %barrier3A_52 = arith.constant 0 : index
    tpu.barrier barrier_id(%barrier3A_52)
    %mul3A_53 = arith.constant 640 : i32
    %mul3A_54 = arith.muli %arg1, %mul3A_53 : i32
    %mul3A_55 = arith.constant 640 : i32
    %mul3A_56 = arith.muli %arg1, %mul3A_55 : i32
    "tpu.region"() ({
      %run_scoped3A = tpu.sem_alloc : memref<!tpu.dma_semaphore, #tpu.memory_space<semaphore_mem>>
      %dma_start3A_57 = arith.constant 0 : i32
      %dma_start3A_58 = arith.constant 0 : i32
      %dma_start3A_59 = tpu.memref_slice %arg5[%arg0, %dma_start3A_57, %dma_start3A_58] : memref<2x10240x64xf32, #tpu.memory_space<hbm>> -> memref<1x10240x64xf32, #tpu.memory_space<hbm>>
      %dma_start3A_60 = tpu.memref_squeeze %dma_start3A_59 : memref<1x10240x64xf32, #tpu.memory_space<hbm>> -> memref<10240x64xf32, #tpu.memory_space<hbm>>
      %dma_start3A_61 = arith.constant 0 : i32
      %dma_start3A_62 = tpu.memref_slice %dma_start3A_60[%mul3A_56, %dma_start3A_61] : memref<10240x64xf32, #tpu.memory_space<hbm>> -> memref<640x64xf32, #tpu.memory_space<hbm>>
      %dma_start3A_63 = arith.constant 0 : i32
      %dma_start3A_64 = tpu.memref_slice %arg13[%mul3A_54, %dma_start3A_63] : memref<10240x64xf32, #tpu.memory_space<vmem_shared>> -> memref<640x64xf32, #tpu.memory_space<vmem_shared>>
      tpu.enqueue_dma source(%dma_start3A_64 : memref<640x64xf32, #tpu.memory_space<vmem_shared>>) target(%dma_start3A_62 : memref<640x64xf32, #tpu.memory_space<hbm>>) target_semaphore(%run_scoped3A : memref<!tpu.dma_semaphore, #tpu.memory_space<semaphore_mem>>)
      %dma_wait3A_65 = arith.constant 0 : i32
      %dma_wait3A_66 = arith.constant 0 : i32
      %dma_wait3A_67 = tpu.memref_slice %arg5[%arg0, %dma_wait3A_65, %dma_wait3A_66] : memref<2x10240x64xf32, #tpu.memory_space<hbm>> -> memref<1x10240x64xf32, #tpu.memory_space<hbm>>
      %dma_wait3A_68 = tpu.memref_squeeze %dma_wait3A_67 : memref<1x10240x64xf32, #tpu.memory_space<hbm>> -> memref<10240x64xf32, #tpu.memory_space<hbm>>
      %dma_wait3A_69 = arith.constant 0 : i32
      %dma_wait3A_70 = tpu.memref_slice %dma_wait3A_68[%mul3A_56, %dma_wait3A_69] : memref<10240x64xf32, #tpu.memory_space<hbm>> -> memref<640x64xf32, #tpu.memory_space<hbm>>
      %dma_wait3A_71 = arith.constant 0 : i32
      %dma_wait3A_72 = tpu.memref_slice %arg13[%mul3A_54, %dma_wait3A_71] : memref<10240x64xf32, #tpu.memory_space<vmem_shared>> -> memref<640x64xf32, #tpu.memory_space<vmem_shared>>
      tpu.wait_dma2 semaphore(%run_scoped3A : memref<!tpu.dma_semaphore, #tpu.memory_space<semaphore_mem>>) src(%dma_wait3A_72 : memref<640x64xf32, #tpu.memory_space<vmem_shared>>) dst(%dma_wait3A_70 : memref<640x64xf32, #tpu.memory_space<hbm>>)
      tpu.yield
    }) : () -> ()
    return
  }
}

module attributes {stable_mosaic.version = 14 : i64} {
  func.func @_mm_body(%arg0: i32, %arg1: i32, %arg2: memref<1024x128xf32, #tpu.memory_space<vmem>>, %arg3: memref<1x128x64xf32, #tpu.memory_space<vmem>>, %arg4: memref<1x1024x64xf32, #tpu.memory_space<vmem>>) attributes {dimension_semantics = [#tpu.dimension_semantics<arbitrary>, #tpu.dimension_semantics<arbitrary>], iteration_bounds = array<i64: 2, 10>, scalar_prefetch = 0 : i64, scratch_operands = 0 : i64, tpu.core_type = #tpu.core_type<tc>, window_params = [{transform_indices = @transform_0, window_bounds = array<i64: 1024, 128>}, {transform_indices = @transform_1, window_bounds = array<i64: 1, 128, 64>}, {transform_indices = @transform_2, window_bounds = array<i64: 1, 1024, 64>}]} {
    %get3A = arith.constant 0 : index
    %get3A_0 = arith.constant 0 : index
    %get3A_1 = vector.load %arg2[%get3A, %get3A_0] : memref<1024x128xf32, #tpu.memory_space<vmem>>, vector<1024x128xf32>
    %get3A_2 = arith.constant 0 : index
    %get3A_3 = arith.constant 0 : index
    %get3A_4 = arith.constant 0 : index
    %get3A_5 = vector.load %arg3[%get3A_2, %get3A_3, %get3A_4] : memref<1x128x64xf32, #tpu.memory_space<vmem>>, vector<1x128x64xf32>
    %get3A_6 = vector.shape_cast %get3A_5 : vector<1x128x64xf32> to vector<128x64xf32>
    %dot_general3A = arith.constant dense<0.000000e+00> : vector<1024x64xf32>
    %dot_general3A_7 = tpu.matmul %get3A_1, %get3A_6, %dot_general3A {dimension_numbers = #tpu.dot_dimension_numbers<[1], [0], [0], [1], [0, 0, 1, 1], [], []>, transpose_lhs_hint = false} : vector<1024x128xf32>, vector<128x64xf32>, vector<1024x64xf32> -> vector<1024x64xf32>
    %swap3A = arith.constant 0 : index
    %swap3A_8 = arith.constant 0 : index
    %swap3A_9 = arith.constant 0 : index
    %swap3A_10 = vector.load %arg4[%swap3A, %swap3A_8, %swap3A_9] : memref<1x1024x64xf32, #tpu.memory_space<vmem>>, vector<1x1024x64xf32>
    %swap3A_11 = vector.shape_cast %swap3A_10 : vector<1x1024x64xf32> to vector<1024x64xf32>
    %swap3A_12 = vector.shape_cast %dot_general3A_7 : vector<1024x64xf32> to vector<1x1024x64xf32>
    tpu.vector_store %arg4[%swap3A, %swap3A_8, %swap3A_9], %swap3A_12 {strides = array<i32>} : memref<1x1024x64xf32, #tpu.memory_space<vmem>>, vector<1x1024x64xf32>,
    return
  }
  func.func @transform_0(%arg0: i32, %arg1: i32) -> (i32, i32) {
    %c0_i32 = arith.constant 0 : i32
    %c0_i32_0 = arith.constant 0 : i32
    return %arg1, %c0_i32 : i32, i32
  }
  func.func @transform_1(%arg0: i32, %arg1: i32) -> (i32, i32, i32) {
    %c0_i32 = arith.constant 0 : i32
    %c0_i32_0 = arith.constant 0 : i32
    %c0_i32_1 = arith.constant 0 : i32
    return %arg0, %c0_i32, %c0_i32_0 : i32, i32, i32
  }
  func.func @transform_2(%arg0: i32, %arg1: i32) -> (i32, i32, i32) {
    %c0_i32 = arith.constant 0 : i32
    %c0_i32_0 = arith.constant 0 : i32
    return %arg0, %arg1, %c0_i32 : i32, i32, i32
  }
}

module attributes {stable_mosaic.version = 14 : i64} {
  func.func @_scale_body(%arg0: i32, %arg1: memref<2x1024x1xf32, #tpu.memory_space<vmem>>, %arg2: memref<2x1024x64xf32, #tpu.memory_space<vmem>>, %arg3: memref<1024x1xf32, #tpu.memory_space<vmem>>, %arg4: memref<2x1024x64xf32, #tpu.memory_space<vmem>>) attributes {dimension_semantics = [#tpu.dimension_semantics<arbitrary>], iteration_bounds = array<i64: 10>, scalar_prefetch = 0 : i64, scratch_operands = 0 : i64, tpu.core_type = #tpu.core_type<tc>, window_params = [{transform_indices = @transform_0, window_bounds = array<i64: 2, 1024, 1>}, {transform_indices = @transform_1, window_bounds = array<i64: 2, 1024, 64>}, {transform_indices = @transform_2, window_bounds = array<i64: 1024, 1>}, {transform_indices = @transform_3, window_bounds = array<i64: 2, 1024, 64>}]} {
    %get3A = arith.constant 0 : index
    %get3A_0 = arith.constant 0 : index
    %get3A_1 = arith.constant 0 : index
    %get3A_2 = vector.load %arg1[%get3A, %get3A_0, %get3A_1] : memref<2x1024x1xf32, #tpu.memory_space<vmem>>, vector<1x1024x1xf32>
    %get3A_3 = vector.shape_cast %get3A_2 : vector<1x1024x1xf32> to vector<1024x1xf32>
    %add3A = arith.constant 1.000000e+00 : f32
    %add3A_4 = vector.broadcast %add3A : f32 to vector<1024x1xf32>
    %add3A_5 = arith.addf %add3A_4, %get3A_3 : vector<1024x1xf32>
    %get3A_6 = arith.constant 1 : index
    %get3A_7 = arith.constant 0 : index
    %get3A_8 = arith.constant 0 : index
    %get3A_9 = vector.load %arg1[%get3A_6, %get3A_7, %get3A_8] : memref<2x1024x1xf32, #tpu.memory_space<vmem>>, vector<1x1024x1xf32>
    %get3A_10 = vector.shape_cast %get3A_9 : vector<1x1024x1xf32> to vector<1024x1xf32>
    %add3A_11 = arith.addf %add3A_5, %get3A_10 : vector<1024x1xf32>
    %rsqrt3A = math.rsqrt %add3A_11 : vector<1024x1xf32>
    %swap3A = arith.constant 0 : index
    %swap3A_12 = arith.constant 0 : index
    %swap3A_13 = vector.load %arg3[%swap3A, %swap3A_12] : memref<1024x1xf32, #tpu.memory_space<vmem>>, vector<1024x1xf32>
    tpu.vector_store %arg3[%swap3A, %swap3A_12], %rsqrt3A {strides = array<i32>} : memref<1024x1xf32, #tpu.memory_space<vmem>>, vector<1024x1xf32>,
    %get3A_14 = arith.constant 0 : index
    %get3A_15 = arith.constant 0 : index
    %get3A_16 = arith.constant 0 : index
    %get3A_17 = vector.load %arg2[%get3A_14, %get3A_15, %get3A_16] : memref<2x1024x64xf32, #tpu.memory_space<vmem>>, vector<1x1024x64xf32>
    %get3A_18 = vector.shape_cast %get3A_17 : vector<1x1024x64xf32> to vector<1024x64xf32>
    %mul3A = vector.broadcast %rsqrt3A : vector<1024x1xf32> to vector<1024x64xf32>
    %mul3A_19 = arith.mulf %mul3A, %get3A_18 : vector<1024x64xf32>
    %swap3A_20 = arith.constant 0 : index
    %swap3A_21 = arith.constant 0 : index
    %swap3A_22 = arith.constant 0 : index
    %swap3A_23 = vector.load %arg4[%swap3A_20, %swap3A_21, %swap3A_22] : memref<2x1024x64xf32, #tpu.memory_space<vmem>>, vector<1x1024x64xf32>
    %swap3A_24 = vector.shape_cast %swap3A_23 : vector<1x1024x64xf32> to vector<1024x64xf32>
    %swap3A_25 = vector.shape_cast %mul3A_19 : vector<1024x64xf32> to vector<1x1024x64xf32>
    tpu.vector_store %arg4[%swap3A_20, %swap3A_21, %swap3A_22], %swap3A_25 {strides = array<i32>} : memref<2x1024x64xf32, #tpu.memory_space<vmem>>, vector<1x1024x64xf32>,
    %get3A_26 = arith.constant 1 : index
    %get3A_27 = arith.constant 0 : index
    %get3A_28 = arith.constant 0 : index
    %get3A_29 = vector.load %arg2[%get3A_26, %get3A_27, %get3A_28] : memref<2x1024x64xf32, #tpu.memory_space<vmem>>, vector<1x1024x64xf32>
    %get3A_30 = vector.shape_cast %get3A_29 : vector<1x1024x64xf32> to vector<1024x64xf32>
    %mul3A_31 = vector.broadcast %rsqrt3A : vector<1024x1xf32> to vector<1024x64xf32>
    %mul3A_32 = arith.mulf %mul3A_31, %get3A_30 : vector<1024x64xf32>
    %swap3A_33 = arith.constant 1 : index
    %swap3A_34 = arith.constant 0 : index
    %swap3A_35 = arith.constant 0 : index
    %swap3A_36 = vector.load %arg4[%swap3A_33, %swap3A_34, %swap3A_35] : memref<2x1024x64xf32, #tpu.memory_space<vmem>>, vector<1x1024x64xf32>
    %swap3A_37 = vector.shape_cast %swap3A_36 : vector<1x1024x64xf32> to vector<1024x64xf32>
    %swap3A_38 = vector.shape_cast %mul3A_32 : vector<1024x64xf32> to vector<1x1024x64xf32>
    tpu.vector_store %arg4[%swap3A_33, %swap3A_34, %swap3A_35], %swap3A_38 {strides = array<i32>} : memref<2x1024x64xf32, #tpu.memory_space<vmem>>, vector<1x1024x64xf32>,
    return
  }
  func.func @transform_0(%arg0: i32) -> (i32, i32, i32) {
    %c0_i32 = arith.constant 0 : i32
    %c0_i32_0 = arith.constant 0 : i32
    %c0_i32_1 = arith.constant 0 : i32
    return %c0_i32, %arg0, %c0_i32_0 : i32, i32, i32
  }
  func.func @transform_1(%arg0: i32) -> (i32, i32, i32) {
    %c0_i32 = arith.constant 0 : i32
    %c0_i32_0 = arith.constant 0 : i32
    %c0_i32_1 = arith.constant 0 : i32
    return %c0_i32, %arg0, %c0_i32_0 : i32, i32, i32
  }
  func.func @transform_2(%arg0: i32) -> (i32, i32) {
    %c0_i32 = arith.constant 0 : i32
    %c0_i32_0 = arith.constant 0 : i32
    return %arg0, %c0_i32 : i32, i32
  }
  func.func @transform_3(%arg0: i32) -> (i32, i32, i32) {
    %c0_i32 = arith.constant 0 : i32
    %c0_i32_0 = arith.constant 0 : i32
    %c0_i32_1 = arith.constant 0 : i32
    return %c0_i32, %arg0, %c0_i32_0 : i32, i32, i32
  }
}

module attributes {stable_mosaic.version = 14 : i64} {
  func.func @_mid_body(%arg0: i32, %arg1: memref<2x1024x64xf32, #tpu.memory_space<vmem>>, %arg2: memref<2x1024x64xf32, #tpu.memory_space<vmem>>, %arg3: memref<1024x1xf32, #tpu.memory_space<vmem>>, %arg4: memref<2x128x64xf32, #tpu.memory_space<vmem>>, %arg5: memref<2x1024x64xf32, #tpu.memory_space<vmem>>) attributes {dimension_semantics = [#tpu.dimension_semantics<arbitrary>], iteration_bounds = array<i64: 10>, scalar_prefetch = 0 : i64, scratch_operands = 0 : i64, tpu.core_type = #tpu.core_type<tc>, window_params = [{transform_indices = @transform_0, window_bounds = array<i64: 2, 1024, 64>}, {transform_indices = @transform_1, window_bounds = array<i64: 2, 1024, 64>}, {transform_indices = @transform_2, window_bounds = array<i64: 1024, 1>}, {pipeline_mode = #tpu.pipeline_mode<synchronous>, transform_indices = @transform_3, window_bounds = array<i64: 2, 128, 64>}, {transform_indices = @transform_4, window_bounds = array<i64: 2, 1024, 64>}]} {
    %get3A = arith.constant 0 : index
    %get3A_0 = arith.constant 0 : index
    %get3A_1 = vector.load %arg3[%get3A, %get3A_0] : memref<1024x1xf32, #tpu.memory_space<vmem>>, vector<1024x1xf32>
    %get3A_2 = arith.constant 0 : index
    %get3A_3 = arith.constant 0 : index
    %get3A_4 = arith.constant 0 : index
    %get3A_5 = vector.load %arg1[%get3A_2, %get3A_3, %get3A_4] : memref<2x1024x64xf32, #tpu.memory_space<vmem>>, vector<1x1024x64xf32>
    %get3A_6 = vector.shape_cast %get3A_5 : vector<1x1024x64xf32> to vector<1024x64xf32>
    %get3A_7 = arith.constant 0 : index
    %get3A_8 = arith.constant 0 : index
    %get3A_9 = arith.constant 0 : index
    %get3A_10 = vector.load %arg2[%get3A_7, %get3A_8, %get3A_9] : memref<2x1024x64xf32, #tpu.memory_space<vmem>>, vector<1x1024x64xf32>
    %get3A_11 = vector.shape_cast %get3A_10 : vector<1x1024x64xf32> to vector<1024x64xf32>
    %add3A = arith.addf %get3A_6, %get3A_11 : vector<1024x64xf32>
    %get3A_12 = arith.constant 1 : index
    %get3A_13 = arith.constant 0 : index
    %get3A_14 = arith.constant 0 : index
    %get3A_15 = vector.load %arg1[%get3A_12, %get3A_13, %get3A_14] : memref<2x1024x64xf32, #tpu.memory_space<vmem>>, vector<1x1024x64xf32>
    %get3A_16 = vector.shape_cast %get3A_15 : vector<1x1024x64xf32> to vector<1024x64xf32>
    %get3A_17 = arith.constant 1 : index
    %get3A_18 = arith.constant 0 : index
    %get3A_19 = arith.constant 0 : index
    %get3A_20 = vector.load %arg2[%get3A_17, %get3A_18, %get3A_19] : memref<2x1024x64xf32, #tpu.memory_space<vmem>>, vector<1x1024x64xf32>
    %get3A_21 = vector.shape_cast %get3A_20 : vector<1x1024x64xf32> to vector<1024x64xf32>
    %add3A_22 = arith.addf %get3A_16, %get3A_21 : vector<1024x64xf32>
    %concatenate3A = tpu.concatenate %add3A, %add3A_22 in 1 : vector<1024x64xf32>, vector<1024x64xf32> -> vector<1024x128xf32>
    %mul3A = vector.broadcast %get3A_1 : vector<1024x1xf32> to vector<1024x128xf32>
    %mul3A_23 = arith.mulf %mul3A, %concatenate3A : vector<1024x128xf32>
    %max3A = arith.constant 0.000000e+00 : f32
    %max3A_24 = vector.broadcast %max3A : f32 to vector<1024x128xf32>
    %max3A_25 = arith.maximumf %mul3A_23, %max3A_24 : vector<1024x128xf32>
    %get3A_26 = arith.constant 0 : index
    %get3A_27 = arith.constant 0 : index
    %get3A_28 = arith.constant 0 : index
    %get3A_29 = vector.load %arg4[%get3A_26, %get3A_27, %get3A_28] : memref<2x128x64xf32, #tpu.memory_space<vmem>>, vector<1x128x64xf32>
    %get3A_30 = vector.shape_cast %get3A_29 : vector<1x128x64xf32> to vector<128x64xf32>
    %dot_general3A = arith.constant dense<0.000000e+00> : vector<1024x64xf32>
    %dot_general3A_31 = tpu.matmul %max3A_25, %get3A_30, %dot_general3A {dimension_numbers = #tpu.dot_dimension_numbers<[1], [0], [0], [1], [0, 0, 1, 1], [], []>, transpose_lhs_hint = false} : vector<1024x128xf32>, vector<128x64xf32>, vector<1024x64xf32> -> vector<1024x64xf32>
    %mul3A_32 = vector.broadcast %get3A_1 : vector<1024x1xf32> to vector<1024x64xf32>
    %mul3A_33 = arith.mulf %mul3A_32, %dot_general3A_31 : vector<1024x64xf32>
    %swap3A = arith.constant 0 : index
    %swap3A_34 = arith.constant 0 : index
    %swap3A_35 = arith.constant 0 : index
    %swap3A_36 = vector.load %arg5[%swap3A, %swap3A_34, %swap3A_35] : memref<2x1024x64xf32, #tpu.memory_space<vmem>>, vector<1x1024x64xf32>
    %swap3A_37 = vector.shape_cast %swap3A_36 : vector<1x1024x64xf32> to vector<1024x64xf32>
    %swap3A_38 = vector.shape_cast %mul3A_33 : vector<1024x64xf32> to vector<1x1024x64xf32>
    tpu.vector_store %arg5[%swap3A, %swap3A_34, %swap3A_35], %swap3A_38 {strides = array<i32>} : memref<2x1024x64xf32, #tpu.memory_space<vmem>>, vector<1x1024x64xf32>,
    %get3A_39 = arith.constant 1 : index
    %get3A_40 = arith.constant 0 : index
    %get3A_41 = arith.constant 0 : index
    %get3A_42 = vector.load %arg4[%get3A_39, %get3A_40, %get3A_41] : memref<2x128x64xf32, #tpu.memory_space<vmem>>, vector<1x128x64xf32>
    %get3A_43 = vector.shape_cast %get3A_42 : vector<1x128x64xf32> to vector<128x64xf32>
    %dot_general3A_44 = arith.constant dense<0.000000e+00> : vector<1024x64xf32>
    %dot_general3A_45 = tpu.matmul %max3A_25, %get3A_43, %dot_general3A_44 {dimension_numbers = #tpu.dot_dimension_numbers<[1], [0], [0], [1], [0, 0, 1, 1], [], []>, transpose_lhs_hint = false} : vector<1024x128xf32>, vector<128x64xf32>, vector<1024x64xf32> -> vector<1024x64xf32>
    %mul3A_46 = vector.broadcast %get3A_1 : vector<1024x1xf32> to vector<1024x64xf32>
    %mul3A_47 = arith.mulf %mul3A_46, %dot_general3A_45 : vector<1024x64xf32>
    %swap3A_48 = arith.constant 1 : index
    %swap3A_49 = arith.constant 0 : index
    %swap3A_50 = arith.constant 0 : index
    %swap3A_51 = vector.load %arg5[%swap3A_48, %swap3A_49, %swap3A_50] : memref<2x1024x64xf32, #tpu.memory_space<vmem>>, vector<1x1024x64xf32>
    %swap3A_52 = vector.shape_cast %swap3A_51 : vector<1x1024x64xf32> to vector<1024x64xf32>
    %swap3A_53 = vector.shape_cast %mul3A_47 : vector<1024x64xf32> to vector<1x1024x64xf32>
    tpu.vector_store %arg5[%swap3A_48, %swap3A_49, %swap3A_50], %swap3A_53 {strides = array<i32>} : memref<2x1024x64xf32, #tpu.memory_space<vmem>>, vector<1x1024x64xf32>,
    return
  }
  func.func @transform_0(%arg0: i32) -> (i32, i32, i32) {
    %c0_i32 = arith.constant 0 : i32
    %c0_i32_0 = arith.constant 0 : i32
    %c0_i32_1 = arith.constant 0 : i32
    return %c0_i32, %arg0, %c0_i32_0 : i32, i32, i32
  }
  func.func @transform_1(%arg0: i32) -> (i32, i32, i32) {
    %c0_i32 = arith.constant 0 : i32
    %c0_i32_0 = arith.constant 0 : i32
    %c0_i32_1 = arith.constant 0 : i32
    return %c0_i32, %arg0, %c0_i32_0 : i32, i32, i32
  }
  func.func @transform_2(%arg0: i32) -> (i32, i32) {
    %c0_i32 = arith.constant 0 : i32
    %c0_i32_0 = arith.constant 0 : i32
    return %arg0, %c0_i32 : i32, i32
  }
  func.func @transform_3(%arg0: i32) -> (i32, i32, i32) {
    %c0_i32 = arith.constant 0 : i32
    %c0_i32_0 = arith.constant 0 : i32
    %c0_i32_1 = arith.constant 0 : i32
    %c0_i32_2 = arith.constant 0 : i32
    return %c0_i32, %c0_i32_0, %c0_i32_1 : i32, i32, i32
  }
  func.func @transform_4(%arg0: i32) -> (i32, i32, i32) {
    %c0_i32 = arith.constant 0 : i32
    %c0_i32_0 = arith.constant 0 : i32
    %c0_i32_1 = arith.constant 0 : i32
    return %c0_i32, %arg0, %c0_i32_0 : i32, i32, i32
  }
}

module attributes {stable_mosaic.version = 14 : i64} {
  func.func @_final_body(%arg0: i32, %arg1: memref<2x1024x64xf32, #tpu.memory_space<vmem>>, %arg2: memref<2x1024x64xf32, #tpu.memory_space<vmem>>, %arg3: memref<1024x1xf32, #tpu.memory_space<vmem>>, %arg4: memref<1024x128xf32, #tpu.memory_space<vmem>>) attributes {dimension_semantics = [#tpu.dimension_semantics<arbitrary>], iteration_bounds = array<i64: 10>, scalar_prefetch = 0 : i64, scratch_operands = 0 : i64, tpu.core_type = #tpu.core_type<tc>, window_params = [{transform_indices = @transform_0, window_bounds = array<i64: 2, 1024, 64>}, {transform_indices = @transform_1, window_bounds = array<i64: 2, 1024, 64>}, {transform_indices = @transform_2, window_bounds = array<i64: 1024, 1>}, {transform_indices = @transform_3, window_bounds = array<i64: 1024, 128>}]} {
    %get3A = arith.constant 0 : index
    %get3A_0 = arith.constant 0 : index
    %get3A_1 = vector.load %arg3[%get3A, %get3A_0] : memref<1024x1xf32, #tpu.memory_space<vmem>>, vector<1024x1xf32>
    %get3A_2 = arith.constant 0 : index
    %get3A_3 = arith.constant 0 : index
    %get3A_4 = arith.constant 0 : index
    %get3A_5 = vector.load %arg1[%get3A_2, %get3A_3, %get3A_4] : memref<2x1024x64xf32, #tpu.memory_space<vmem>>, vector<1x1024x64xf32>
    %get3A_6 = vector.shape_cast %get3A_5 : vector<1x1024x64xf32> to vector<1024x64xf32>
    %get3A_7 = arith.constant 0 : index
    %get3A_8 = arith.constant 0 : index
    %get3A_9 = arith.constant 0 : index
    %get3A_10 = vector.load %arg2[%get3A_7, %get3A_8, %get3A_9] : memref<2x1024x64xf32, #tpu.memory_space<vmem>>, vector<1x1024x64xf32>
    %get3A_11 = vector.shape_cast %get3A_10 : vector<1x1024x64xf32> to vector<1024x64xf32>
    %add3A = arith.addf %get3A_6, %get3A_11 : vector<1024x64xf32>
    %get3A_12 = arith.constant 1 : index
    %get3A_13 = arith.constant 0 : index
    %get3A_14 = arith.constant 0 : index
    %get3A_15 = vector.load %arg1[%get3A_12, %get3A_13, %get3A_14] : memref<2x1024x64xf32, #tpu.memory_space<vmem>>, vector<1x1024x64xf32>
    %get3A_16 = vector.shape_cast %get3A_15 : vector<1x1024x64xf32> to vector<1024x64xf32>
    %get3A_17 = arith.constant 1 : index
    %get3A_18 = arith.constant 0 : index
    %get3A_19 = arith.constant 0 : index
    %get3A_20 = vector.load %arg2[%get3A_17, %get3A_18, %get3A_19] : memref<2x1024x64xf32, #tpu.memory_space<vmem>>, vector<1x1024x64xf32>
    %get3A_21 = vector.shape_cast %get3A_20 : vector<1x1024x64xf32> to vector<1024x64xf32>
    %add3A_22 = arith.addf %get3A_16, %get3A_21 : vector<1024x64xf32>
    %concatenate3A = tpu.concatenate %add3A, %add3A_22 in 1 : vector<1024x64xf32>, vector<1024x64xf32> -> vector<1024x128xf32>
    %mul3A = vector.broadcast %get3A_1 : vector<1024x1xf32> to vector<1024x128xf32>
    %mul3A_23 = arith.mulf %mul3A, %concatenate3A : vector<1024x128xf32>
    %max3A = arith.constant 0.000000e+00 : f32
    %max3A_24 = vector.broadcast %max3A : f32 to vector<1024x128xf32>
    %max3A_25 = arith.maximumf %mul3A_23, %max3A_24 : vector<1024x128xf32>
    %reduce_max3A = arith.constant dense<0xFF800000> : vector<1024xf32>
    %reduce_max3A_26 = vector.multi_reduction <maximumf>, %max3A_25, %reduce_max3A [1] : vector<1024x128xf32> to vector<1024xf32>
    %broadcast_in_dim3A = vector.shape_cast %reduce_max3A_26 : vector<1024xf32> to vector<1024x1xf32>
    %sub3A = vector.broadcast %broadcast_in_dim3A : vector<1024x1xf32> to vector<1024x128xf32>
    %sub3A_27 = arith.subf %max3A_25, %sub3A : vector<1024x128xf32>
    %exp3A = math.exp %sub3A_27 : vector<1024x128xf32>
    %reduce_sum3A = arith.constant dense<0.000000e+00> : vector<1024xf32>
    %reduce_sum3A_28 = vector.multi_reduction <add>, %exp3A, %reduce_sum3A [1] : vector<1024x128xf32> to vector<1024xf32>
    %broadcast_in_dim3A_29 = vector.shape_cast %reduce_sum3A_28 : vector<1024xf32> to vector<1024x1xf32>
    %div3A = vector.broadcast %broadcast_in_dim3A_29 : vector<1024x1xf32> to vector<1024x128xf32>
    %div3A_30 = arith.divf %exp3A, %div3A : vector<1024x128xf32>
    %swap3A = arith.constant 0 : index
    %swap3A_31 = arith.constant 0 : index
    %swap3A_32 = vector.load %arg4[%swap3A, %swap3A_31] : memref<1024x128xf32, #tpu.memory_space<vmem>>, vector<1024x128xf32>
    tpu.vector_store %arg4[%swap3A, %swap3A_31], %div3A_30 {strides = array<i32>} : memref<1024x128xf32, #tpu.memory_space<vmem>>, vector<1024x128xf32>,
    return
  }
  func.func @transform_0(%arg0: i32) -> (i32, i32, i32) {
    %c0_i32 = arith.constant 0 : i32
    %c0_i32_0 = arith.constant 0 : i32
    %c0_i32_1 = arith.constant 0 : i32
    return %c0_i32, %arg0, %c0_i32_0 : i32, i32, i32
  }
  func.func @transform_1(%arg0: i32) -> (i32, i32, i32) {
    %c0_i32 = arith.constant 0 : i32
    %c0_i32_0 = arith.constant 0 : i32
    %c0_i32_1 = arith.constant 0 : i32
    return %c0_i32, %arg0, %c0_i32_0 : i32, i32, i32
  }
  func.func @transform_2(%arg0: i32) -> (i32, i32) {
    %c0_i32 = arith.constant 0 : i32
    %c0_i32_0 = arith.constant 0 : i32
    return %arg0, %c0_i32 : i32, i32
  }
  func.func @transform_3(%arg0: i32) -> (i32, i32) {
    %c0_i32 = arith.constant 0 : i32
    %c0_i32_0 = arith.constant 0 : i32
    return %arg0, %c0_i32 : i32, i32
  }
}

</mosaic_0001>

<sc_bundles>
// kernel: kernel.12.cloned.1.call-start
scs
__scs_entry_jumppad:
0x0: {  	(pc) =	sbr.rel $0x88, $3  }
0x1: {  	(tag) =	ssettag $0x0;
	lr =	simm.s32 $0x1  }
0x2: {  	[smem:$0x3F9D] =	sst lr;
	_ =	strace $0xD0000000  }
0x3: {  	_ = 	snop  }
0x4: {  	_ = 	snop  }
0x5: {  	_ = 	snop  }
0x6: {  	_ = 	snop  }
0x7: {  	_ = 	snop  }
__scs_overlays_trampoline_lowered:
0x8: {  	[smem:$0x3FAC] =	sst s0  }
0x9: {  	[smem:$0x3FAD] =	sst s1  }
0xa: {  	[smem:$0x3FAE] =	sst s2  }
0xb: {  	[smem:$0x3FAF] =	sst s3  }
0xc: {  	[smem:$0x3FB0] =	sst s4  }
0xd: {  	[smem:$0x3FB1] =	sst s5  }
0xe: {  	[smem:$0x3FB2] =	sst s6  }
0xf: {  	[smem:$0x3FB3] =	sst s7  }
0x10: {  	[smem:$0x3FB4] =	sst s8  }
0x11: {  	[smem:$0x3FB5] =	sst s9;
	s0 =	simm.s32 @!p0 $0x0  }
0x12: {  	s1 =	sld [smem:$0x3F9B];
	s0 =	simm.s32 @p0 $0x1  }
0x13: {  	[smem:$0x3FB6] =	sst s0;
	s0 =	simm.s32 @!p1 $0x0  }
0x14: {  	s2 =	sld [smem:$0x3F9A];
	s0 =	simm.s32 @p1 $0x1  }
0x15: {  	[smem:$0x3FB7] =	sst s0;
	s0 =	simm.s32 @!p2 $0x0  }
0x16: {  	s3 =	sld [smem:$0x3FDB];
	s0 =	simm.s32 @p2 $0x1  }
0x17: {  	s4 =	simm.s32 $0x1BF5;
	[smem:$0x3FB9] =	sst s0  }
0x18: {  	s0 =	sld [smem:$0x3F9C];
	_ =	swait.ge [sflag:s4], $0x0  }
0x19: {  	s7 =	sld [smem:$0x3F9D]  }
0x1a: {  	s8 =	sadd.s32 $0xFFFFE003, lr  }
0x1b: {  	s9 =	sadd.s32 $0xFFFFFEF7, lr;
	s5 =	simm.s32 $0xFFFFFFFF;
	p2 =	slt.u32 s8, $0xFFFFF086  }
0x1c: {  	p1 =	slt.u32 s9, $0xF7A;
	s5 =	simm.s32 @!p2 $0x0  }
0x1d: {  	s5 =	simm.s32 @p1 $0x1;
	p0 =	seq.s32 s7, s2  }
0x1e: {  	s7 =	smul.u32 @!p0 $0xF7A, s2;
	p2 =	seq.s32 @!p0 s5, $0x0  }
0x1f: {  	s9 =	smul.u32 $0xF7A, s1;
	s8 =	simm.s32 @!p0 $0x1BF5;
	p2 =	por !p2, p0  }
0x20: {  	[sflag:s8] =	ssyncset.s32 @!p0 $0xFFFFF086;
	s6 =	sadd.s32 @!p0 s3, s7;
	s7 =	simm.s32 @!p0 $0x108  }
0x21: {  	s3 =	sadd.s32 s3, s9;
	s6 =	sadd.s32 @!p0 $0x88, s6;
	s7 =	simm.s32 @p2 $0x1082  }
0x22: {  	[simem:s7], [sflag:s8] =	dma.local @!p0 [hbm:s6], $0xF7A  }
0x23: {  	s9 =	sor.u32 $0xD0000000, s2;
	s6 =	simm.s32 $0x108;
	_ =	swait.ge @!p0 [sflag:s8], $0x0  }
0x24: {  	s3 =	sadd.s32 $0x88, s3;
	s6 =	simm.s32 @!p1 $0x1082;
	[sflag:s4] =	ssyncset.s32 $0xFFFFF086  }
0x25: {  	[simem:s6], [sflag:s4] =	dma.local [hbm:s3], $0xF7A  }
0x26: {  	[smem:$0x3F9D] =	sst s1;
	(tag) =	ssettag s2;
	_ =	strace s9  }
0x27: {  	s1 =	sld [smem:$0x3FAD]  }
0x28: {  	s2 =	sld [smem:$0x3FAE]  }
0x29: {  	s4 =	sld [smem:$0x3FB0]  }
0x2a: {  	p0 =	seq.s32 s5, $0x0;
	s5 =	sld [smem:$0x3FB1]  }
0x2b: {  	s6 =	sld [smem:$0x3FB2]  }
0x2c: {  	s7 =	sld [smem:$0x3FB3]  }
0x2d: {  	s3 =	simm.s32 $0x108;
	s8 =	sld [smem:$0x3FB4]  }
0x2e: {  	s3 =	simm.s32 @!p0 $0x1082;
	s9 =	sld [smem:$0x3FB5]  }
0x2f: {  	lr =	sadd.s32 s0, s3;
	s0 =	sld [smem:$0x3FAC]  }
0x30: {  	s3 =	sld [smem:$0x3FAF]  }
0x31: {  	[smem:$0x3FB8] =	sst s10  }
0x32: {  	s10 =	sld [smem:$0x3FB6];
	_ =	sdelay $0x3  }
0x33: {  	p0 =	seq.s32 s10, $0x1;
	s10 =	sld [smem:$0x3FB8];
	_ =	sdelay $0x3  }
0x34: {  	[smem:$0x3FB8] =	sst s10  }
0x35: {  	s10 =	sld [smem:$0x3FB7];
	_ =	sdelay $0x3  }
0x36: {  	p1 =	seq.s32 s10, $0x1;
	s10 =	sld [smem:$0x3FB8];
	_ =	sdelay $0x3  }
0x37: {  	[smem:$0x3FB8] =	sst s10  }
0x38: {  	s10 =	sld [smem:$0x3FB9]  }
0x39: {  	_ = 	snop;
	(pc) =	sbr.ind lr, $3  }
0x3a: {  	_ = 	snop  }
0x3b: {  	_ = 	snop  }
0x3c: {  	p2 =	seq.s32 s10, $0x1;
	s10 =	sld [smem:$0x3FB8]  }
0x3d: {  	_ =	shalt  }
0x3e: {  	_ =	shalt  }
0x3f: {  	_ =	shalt  }
0x40: {  	_ =	shalt  }
0x41: {  	_ =	shalt  }
0x42: {  	_ =	shalt  }
0x43: {  	_ =	shalt  }
0x44: {  	_ =	shalt  }
0x45: {  	_ =	shalt  }
0x46: {  	_ =	shalt  }
0x47: {  	_ =	shalt  }
0x48: {  	_ =	shalt  }
0x49: {  	_ =	shalt  }
0x4a: {  	_ =	shalt  }
0x4b: {  	_ =	shalt  }
0x4c: {  	_ =	shalt  }
0x4d: {  	_ =	shalt  }
0x4e: {  	_ =	shalt  }
0x4f: {  	_ =	shalt  }
0x50: {  	_ =	shalt  }
0x51: {  	_ =	shalt  }
0x52: {  	_ =	shalt  }
0x53: {  	_ =	shalt  }
0x54: {  	_ =	shalt  }
0x55: {  	_ =	shalt  }
0x56: {  	_ =	shalt  }
0x57: {  	_ =	shalt  }
0x58: {  	_ =	shalt  }
0x59: {  	_ =	shalt  }
0x5a: {  	_ =	shalt  }
0x5b: {  	_ =	shalt  }
0x5c: {  	_ =	shalt  }
0x5d: {  	_ =	shalt  }
0x5e: {  	_ =	shalt  }
0x5f: {  	_ =	shalt  }
0x60: {  	_ =	shalt  }
0x61: {  	_ =	shalt  }
0x62: {  	_ =	shalt  }
0x63: {  	_ =	shalt  }
0x64: {  	_ =	shalt  }
0x65: {  	_ =	shalt  }
0x66: {  	_ =	shalt  }
0x67: {  	_ =	shalt  }
0x68: {  	_ =	shalt  }
0x69: {  	_ =	shalt  }
0x6a: {  	_ =	shalt  }
0x6b: {  	_ =	shalt  }
0x6c: {  	_ =	shalt  }
0x6d: {  	_ =	shalt  }
0x6e: {  	_ =	shalt  }
0x6f: {  	_ =	shalt  }
0x70: {  	_ =	shalt  }
0x71: {  	_ =	shalt  }
0x72: {  	_ =	shalt  }
0x73: {  	_ =	shalt  }
0x74: {  	_ =	shalt  }
0x75: {  	_ =	shalt  }
0x76: {  	_ =	shalt  }
0x77: {  	_ =	shalt  }
0x78: {  	_ =	shalt  }
0x79: {  	_ =	shalt  }
0x7a: {  	_ =	shalt  }
0x7b: {  	_ =	shalt  }
0x7c: {  	_ =	shalt  }
0x7d: {  	_ =	shalt  }
0x7e: {  	_ =	shalt  }
0x7f: {  	_ =	shalt  }
0x80: {  	_ =	shalt  }
0x81: {  	_ =	shalt  }
0x82: {  	_ =	shalt  }
0x83: {  	_ =	shalt  }
0x84: {  	_ =	shalt  }
0x85: {  	_ =	shalt  }
0x86: {  	_ =	shalt  }
0x87: {  	_ =	shalt  }
.Lfunc_end0:
.L_simem_size_0:
called_computation.1_lowered:
.L_overlay_start_0:
0x88: {  	s2 =	sld [smem:$0x3FD9]  }
0x89: {  	s3 =	sld [smem:$0x3FFE];
	_ =	sdelay $0x1  }
0x8a: {  	s1 =	srdreg.scid  }
0x8b: {  	s0 =	sand.u32 $0x1, s1  }
0x8c: {  	s17 =	sshll.u32 s0, $0xA;
	s2 =	sadd.s32 s3, s2  }
0x8d: {  	s2 =	sadd.s32 s2, s17  }
0x8e: {  	[smem:$0x3FC4] =	sst s2  }
0x8f: {  	_ = 	snop  }
0x90: {  	s2 =	sld [smem:$0x3FD0];
	(tm) =	ssettm $0x1  }
0x91: {  	s18 =	sld [smem:$0x3FFB];
	_ =	sdelay $0x3  }
0x92: {  	_ =	strace s18  }
0x93: {  	s3 =	sld [smem:$0x3FFC];
	_ =	sdelay $0x3  }
0x94: {  	_ =	strace s3  }
0x95: {  	s3 =	sld [smem:$0x3FFD];
	_ =	sdelay $0x3  }
0x96: {  	_ =	strace s3  }
0x97: {  	_ =	strace $0x8FFFFFFF  }
0x98: {  	s19 =	sld [smem:$0x3FDB];
	_ =	sdelay $0x1  }
0x99: {  	s4 =	simm.s32 $_scs_section_size  }
0x9a: {  	s5 =	simm.s32 $_size__tile_overlayer_lowered;
	s6 =	simm.s32 $_tile_overlayer_lowered  }
0x9b: {  	s22 =	simm.s32 $0x1BFF;
	s21 =	sshll.u32 s6, $0x1;
	s3 =	sadd.s32 s4, s19  }
0x9c: {  	s7 =	simm.s32 $0x0;
	s20 =	sshll.u32 s5, $0x1;
	s5 =	sadd.s32 s21, s3  }
0x9d: {  	[timem:s7], [sflag:s22] =	dma.local [hbm:s5], s20  }
0x9e: {  	_ =	swait.ge [sflag:s22], s20  }
0x9f: {  	s4 =	ssub.s32 $0x0, s20;
	[sflag:s22] =	ssyncset.done $0x0  }
0xa0: {  	[sflag:s22] =	ssyncadd.s32 s4;
	_ =	sdelay $0x1  }
0xa1: {  	s23 =	simm.s32 $0x1B8B  }
0xa2: {  	_ =	swait.ge [sflag:s23], $0x1  }
0xa3: {  	[sflag:s23] =	ssyncset.done $0x0  }
0xa4: {  	s25 =	simm.s32 $0x1B8E;
	s24 =	sld [smem:$0x3FFE];
	[sflag:s23] =	ssyncadd.s32 $0xFFFFFFFF  }
0xa5: {  	s26 =	simm.s32 $execute0_lowered;
	[smem:$0x3FD2] =	sst s25  }
0xa6: {  	s5 =	sshll.u32 s26, $0x1;
	_ =	strace $0x80000049;
	[dreg:$0x1] =	wrdreg $0xFFFFFFFF  }
0xa7: {  	s28 =	simm.s32 $_size_execute0_lowered;
	s3 =	sadd.s32 s3, s5;
	[dreg:$0x0] =	wrdreg $0x0  }
0xa8: {  	s5 =	sshll.u32 s28, $0x1;
	[dreg:$0x2] =	wrdreg s3  }
0xa9: {  	[dreg:$0x3] =	wrdreg s5  }
0xaa: {  	[dreg:$0x4] =	wrdreg $0xC0  }
0xab: {  	_ =	task [dreg:s7], $0x5FFFF  }
0xac: {  	[dreg:$0x1] =	wrdreg $0xFFFFFFFF  }
0xad: {  	[dreg:$0x0] =	wrdreg $0x60  }
0xae: {  	[dreg:$0x2] =	wrdreg s24  }
0xaf: {  	[dreg:$0x3] =	wrdreg s2  }
0xb0: {  	[dreg:$0x4] =	wrdreg $0x82000  }
0xb1: {  	[dreg:$0x5] =	wrdreg $0x122000  }
0xb2: {  	[dreg:$0x6] =	wrdreg $0x9  }
0xb3: {  	_ =	task.clear_ibuf [dreg:s7], $0x7FFFF;
	_ =	strace $0x90000049  }
0xb4: {  	s29 =	simm.s32 $0x9;
	_ =	strace $0x8000004B  }
0xb5: {  	_ =	swait.ge [sflag:s29], $0x1  }
0xb6: {  	[sflag:s29] =	ssyncadd.s32 $0xFFFFFFFF  }
0xb7: {  	_ =	strace $0x9000004B  }
0xb8: {  	_ =	sfence  }
0xb9: {  	s30 =	sld [smem:$0x0];
	_ =	sdelay $0x2  }
0xba: {  	s31 =	sshll.u32 s1, $0xD;
	s1 =	sshrl.u32 s1, $0x2  }
0xbb: {  	s3 =	sand.u32 $0x4000, s31;
	s1 =	sadd.s32 s1, s30  }
0xbc: {  	s0 =	sor.u32 s3, s0;
	s1 =	sshll.u32 s1, $0x11  }
0xbd: {  	s0 =	sor.u32 s1, s0  }
0xbe: {  	s0 =	sadd.s32 $0x8F2B, s0  }
0xbf: {  	[sflag:s0] =	ssyncadd.remote.s32 $0x1  }
0xc0: {  	_ =	sfence.sel $0xFFFF  }
0xc1: {  	[dreg:$0x0] =	wrdreg $0xFFFFFFFF;
	(pc) =	sbr.abs _section_cstart, $3  }
0xc2: {  	[dreg:$0x1] =	wrdreg $0xFFFFFFFF  }
0xc3: {  	_ =	task.clear_ibuf [dreg:s7], $0x2FFFF;
	_ =	strace $0x9FFFFFFF  }
0xc4: {  	(tm) =	ssettm $0x7FFFFFFF  }
0xc5: {  	_ =	shalt  }
tec
execute0_lowered:
.L_overlay_start_1:
0x0: {  	(tag) =	ssettag $0x1  }
0x1: {  	s0 =	rddreg [dreg:$0x0]  }
0x2: {  	s1 =	srdreg.scid;
	s12 =	stileid.u32  }
0x3: {  	s6 =	rddreg [dreg:$0x1];
	s7 =	smul.u32 $0x280, s12  }
0x4: {  	s2 =	rddreg [dreg:$0x2];
	s11 =	smul.u32 $0x50000, s12  }
0x5: {  	s3 =	rddreg [dreg:$0x3];
	s4 =	simm.s32 $0x0;
	s10 =	smul.u32 $0x4F00, s12  }
0x6: {  	s29 =	simm.s32 $0x4200;
	s30 =	simm.s32 $0x7;
	s17 =	smul.u32 $0x2800, s12  }
0x7: {  	s31 =	simm.s32 $0x200;
	s1 =	sand.u32 $0x1, s1;
	s23 =	smul.u32 $0x9E0, s12  }
0x8: {  	[smem:$0x7FF] =	sst s4;
	s9 =	sadd.s32 $0x2000, s0;
	s5 =	smul.u32 $0x2800, s1  }
0x9: {  	s12 =	simm.s32 $0x2;
	s26 =	smul.u32 $0x28000, s1;
	s1 =	ssub.s32 $0x2, s1  }
0xa: {  	_ =	strace $0x8000004A;
	s13 =	sshrl.u32 s1, $0x1;
	s14 =	sshrl.u32 s10, $0x3  }
0xb: {  	s11 =	sshrl.u32 s11, $0x2;
	s5 =	sadd.s32 s7, s5;
	s10 =	sadd.s32 s9, s14  }
0xc: {  	s15 =	sadd.s32 s6, s14;
	s7 =	sor.u32 $0x10, s14;
	[dreg:$0x5] =	wrdreg s10  }
0xd: {  	s1 =	ssub.s32 s1, s13;
	[dreg:$0x6] =	wrdreg s15;
	s16 =	sadd.s32 s9, s7  }
0xe: {  	s5 =	sshll.u32 s5, $0x4;
	s7 =	sadd.s32 s6, s7;
	[dreg:$0x7] =	wrdreg s16  }
0xf: {  	s1 =	smax.u32 s1, $0x1;
	s8 =	sadd.s32 s5, s0;
	[dreg:$0x8] =	wrdreg s7  }
0x10: {  	s5 =	sadd.s32 s11, s3;
	[dreg:$0x9] =	wrdreg s1;
	s18 =	sadd.s32 $0xBE00, s8  }
0x11: {  	s11 =	sadd.s32 s11, s2;
	s19 =	sadd.s32 $0xC600, s8;
	[dreg:$0xa] =	wrdreg s18  }
0x12: {  	s13 =	simm.s32 $0x4;
	s20 =	sadd.s32 $0x4000, s11;
	[dreg:$0xb] =	wrdreg s19  }
0x13: {  	s14 =	simm.s32 $0x0;
	s21 =	sadd.s32 $0xCE00, s8;
	[dreg:$0xc] =	wrdreg s20  }
0x14: {  	s10 =	simm.s32 $0x3;
	s22 =	sadd.s32 $0x8000, s11;
	[dreg:$0xd] =	wrdreg s21  }
0x15: {  	s0 =	sadd.s32 s26, s0;
	s24 =	sadd.s32 $0xD600, s8;
	[dreg:$0xe] =	wrdreg s22  }
0x16: {  	s1 =	simm.s32 $0x100;
	s25 =	sadd.s32 $0xC000, s11;
	[dreg:$0xf] =	wrdreg s24  }
0x17: {  	s7 =	simm.s32 $0x5;
	s8 =	sadd.s32 $0xDE00, s8;
	[dreg:$0x10] =	wrdreg s25  }
0x18: {  	s0 =	sadd.s32 $0x5BE00, s0;
	s26 =	sadd.s32 $0x10000, s11;
	[dreg:$0x11] =	wrdreg s8  }
0x19: {  	s28 =	sadd.s32 $0x10000, s5;
	[dreg:$0x12] =	wrdreg s26;
	s21 =	sadd.s32 s23, s6  }
0x1a: {  	s22 =	sadd.s32 s23, s9;
	s23 =	sadd.s32 $0x4000, s5;
	s24 =	sadd.s32 s17, s0  }
0x1b: {  	s25 =	sadd.s32 $0x8000, s5;
	s26 =	sadd.s32 $0xC000, s5;
	s0 =	simm.s32 $0x80  }
0x1c: {  	v0 =	vimm.f32 $0.0e+00;
	s6 =	simm.s32 $0x180;
	s8 =	simm.s32 $0x6;
	s9 =	simm.s32 $0x1  }
.LBB2_1:
0x1d: {  	s15 =	rddreg [dreg:$0xa]  }
0x1e: {  	[tilespmem:s29], [sflag:$0x7] =	stream.linear.gather [hbm4b:s15+s4], $0x4000, $0x38;
	[tilespmem:$0x1C200] =	vst v63  }
0x1f: {  	_ =	swait.ge [sflag:s30], $0x4000  }
0x20: {  	[sflag:s30] =	ssyncset.done $0x0  }
0x21: {  	[sflag:s30] =	ssyncadd.s32 $0xFFFFC000  }
0x22: {  	[spmem:s11] =	stream.linear.scatter [tilespmem:s29], [sflag:$0x7], $0x4000, $0x38;
	[tilespmem:$0x1C200] =	vst v63  }
0x23: {  	_ =	swait.ge [sflag:s30], $0x4000  }
0x24: {  	[sflag:s30] =	ssyncset.done $0x0  }
0x25: {  	s18 =	rddreg [dreg:$0xb];
	[sflag:s30] =	ssyncadd.s32 $0xFFFFC000  }
0x26: {  	[tilespmem:s29], [sflag:$0x7] =	stream.linear.gather [hbm4b:s18+s4], $0x4000, $0x38;
	[tilespmem:$0x1C200] =	vst v63  }
0x27: {  	_ =	swait.ge [sflag:s30], $0x4000  }
0x28: {  	[sflag:s30] =	ssyncset.done $0x0  }
0x29: {  	s19 =	rddreg [dreg:$0xc];
	[sflag:s30] =	ssyncadd.s32 $0xFFFFC000  }
0x2a: {  	[spmem:s19] =	stream.linear.scatter [tilespmem:s29], [sflag:$0x7], $0x4000, $0x38;
	[tilespmem:$0x1C200] =	vst v63  }
0x2b: {  	_ =	swait.ge [sflag:s30], $0x4000  }
0x2c: {  	[sflag:s30] =	ssyncset.done $0x0  }
0x2d: {  	s20 =	rddreg [dreg:$0xd];
	[sflag:s30] =	ssyncadd.s32 $0xFFFFC000  }
0x2e: {  	[tilespmem:s29], [sflag:$0x7] =	stream.linear.gather [hbm4b:s20+s4], $0x4000, $0x38;
	[tilespmem:$0x1C200] =	vst v63  }
0x2f: {  	_ =	swait.ge [sflag:s30], $0x4000  }
0x30: {  	[sflag:s30] =	ssyncset.done $0x0  }
0x31: {  	s16 =	rddreg [dreg:$0xe];
	[sflag:s30] =	ssyncadd.s32 $0xFFFFC000  }
0x32: {  	[spmem:s16] =	stream.linear.scatter [tilespmem:s29], [sflag:$0x7], $0x4000, $0x38;
	[tilespmem:$0x1C200] =	vst v63  }
0x33: {  	_ =	swait.ge [sflag:s30], $0x4000  }
0x34: {  	[sflag:s30] =	ssyncset.done $0x0  }
0x35: {  	s17 =	rddreg [dreg:$0xf];
	[sflag:s30] =	ssyncadd.s32 $0xFFFFC000  }
0x36: {  	[tilespmem:s29], [sflag:$0x7] =	stream.linear.gather [hbm4b:s17+s4], $0x4000, $0x38;
	[tilespmem:$0x1C200] =	vst v63  }
0x37: {  	_ =	swait.ge [sflag:s30], $0x4000  }
0x38: {  	[sflag:s30] =	ssyncset.done $0x0  }
0x39: {  	s18 =	rddreg [dreg:$0x10];
	[sflag:s30] =	ssyncadd.s32 $0xFFFFC000  }
0x3a: {  	[spmem:s18] =	stream.linear.scatter [tilespmem:s29], [sflag:$0x7], $0x4000, $0x38;
	[tilespmem:$0x1C200] =	vst v63  }
0x3b: {  	_ =	swait.ge [sflag:s30], $0x4000  }
0x3c: {  	[sflag:s30] =	ssyncset.done $0x0  }
0x3d: {  	s19 =	rddreg [dreg:$0x11];
	[sflag:s30] =	ssyncadd.s32 $0xFFFFC000  }
0x3e: {  	[tilespmem:s29], [sflag:$0x7] =	stream.linear.gather [hbm4b:s19+s4], $0x4000, $0x38;
	[tilespmem:$0x1C200] =	vst v63  }
0x3f: {  	_ =	swait.ge [sflag:s30], $0x4000  }
0x40: {  	[sflag:s30] =	ssyncset.done $0x0  }
0x41: {  	s20 =	rddreg [dreg:$0x12];
	[sflag:s30] =	ssyncadd.s32 $0xFFFFC000  }
0x42: {  	[spmem:s20] =	stream.linear.scatter [tilespmem:s29], [sflag:$0x7], $0x4000, $0x38;
	[tilespmem:$0x1C200] =	vst v63  }
0x43: {  	_ =	swait.ge [sflag:s30], $0x4000  }
0x44: {  	[sflag:s30] =	ssyncset.done $0x0  }
0x45: {  	s15 =	simm.s32 $0x0;
	s16 =	simm.s32 $0x200;
	[sflag:s30] =	ssyncadd.s32 $0xFFFFC000  }
.LBB2_2:
0x46: {  	p0 =	seq.s32 s16, $0xFE00;
	[tilespmem:s15+$0x230] =	vst v0;
	s17 =	smov.u32 s16;
	s16 =	sadd.s32 $0x200, s16  }
.Ltmp0:
0x47: {  	[tilespmem:s15+$0x220] =	vst v0;
	(pc) =	sbr.rel @!p0 .LBB2_2-.Ltmp0, $3  }
0x48: {  	[tilespmem:s15+$0x200] =	vst v0  }
0x49: {  	[tilespmem:s15+$0x210] =	vst v0;
	_ =	sdelay $0x1  }
0x4a: {  	s15 =	sshra.s32 s17, $0x2  }
0x4b: {  	[tilespmem:s15+$0x230] =	vst v0  }
0x4c: {  	[tilespmem:s15+$0x220] =	vst v0  }
0x4d: {  	[tilespmem:s15+$0x200] =	vst v0  }
0x4e: {  	[tilespmem:s15+$0x210] =	vst v0  }
0x4f: {  	[spmem:s5] =	stream.linear.scatter [tilespmem:s31], [sflag:$0x7], $0x4000, $0x38;
	[tilespmem:$0x1C200] =	vst v63  }
0x50: {  	_ =	swait.ge [sflag:s30], $0x4000  }
0x51: {  	[sflag:s30] =	ssyncset.done $0x0  }
0x52: {  	[sflag:s30] =	ssyncadd.s32 $0xFFFFC000  }
0x53: {  	[spmem:s23] =	stream.linear.scatter [tilespmem:s31], [sflag:$0x7], $0x4000, $0x38;
	[tilespmem:$0x1C200] =	vst v63  }
0x54: {  	_ =	swait.ge [sflag:s30], $0x4000  }
0x55: {  	[sflag:s30] =	ssyncset.done $0x0  }
0x56: {  	[sflag:s30] =	ssyncadd.s32 $0xFFFFC000  }
0x57: {  	[spmem:s25] =	stream.linear.scatter [tilespmem:s31], [sflag:$0x7], $0x4000, $0x38;
	[tilespmem:$0x1C200] =	vst v63  }
0x58: {  	_ =	swait.ge [sflag:s30], $0x4000  }
0x59: {  	[sflag:s30] =	ssyncset.done $0x0  }
0x5a: {  	[sflag:s30] =	ssyncadd.s32 $0xFFFFC000  }
0x5b: {  	[spmem:s26] =	stream.linear.scatter [tilespmem:s31], [sflag:$0x7], $0x4000, $0x38;
	[tilespmem:$0x1C200] =	vst v63  }
0x5c: {  	_ =	swait.ge [sflag:s30], $0x4000  }
0x5d: {  	[sflag:s30] =	ssyncset.done $0x0  }
0x5e: {  	[sflag:s30] =	ssyncadd.s32 $0xFFFFC000  }
0x5f: {  	[spmem:s28] =	stream.linear.scatter [tilespmem:s31], [sflag:$0x7], $0x4000, $0x38;
	[tilespmem:$0x1C200] =	vst v63  }
0x60: {  	_ =	swait.ge [sflag:s30], $0x4000  }
0x61: {  	[sflag:s30] =	ssyncset.done $0x0  }
0x62: {  	[sflag:s30] =	ssyncadd.s32 $0xFFFFC000  }
0x63: {  	[bflag:$0x0] =	sbarrier.arrive $0xFFFF  }
0x64: {  	s19 =	rddreg [dreg:$0x5]  }
0x65: {  	[tilespmem:s4], [sflag:$0x5] =	stream.linear.gather [hbm4b:s19+s4], $0x80, $0x38;
	[tilespmem:$0x1C200] =	vst v63  }
0x66: {  	s20 =	rddreg [dreg:$0x6]  }
0x67: {  	[tilespmem:s1], [sflag:$0x3] =	stream.linear.gather [hbm4b:s20+s4], $0x80, $0x38;
	[tilespmem:$0x1C200] =	vst v63  }
0x68: {  	s16 =	rddreg [dreg:$0x7]  }
0x69: {  	[tilespmem:s0], [sflag:$0x6] =	stream.linear.gather [hbm4b:s16+s4], $0x80, $0x38;
	[tilespmem:$0x1C200] =	vst v63  }
0x6a: {  	s17 =	rddreg [dreg:$0x8]  }
0x6b: {  	[tilespmem:s6], [sflag:$0x4] =	stream.linear.gather [hbm4b:s17+s4], $0x80, $0x38;
	[tilespmem:$0x1C200] =	vst v63  }
0x6c: {  	_ =	swait.ge [sflag:s7], $0x80  }
0x6d: {  	[sflag:s7] =	ssyncset.done $0x0  }
0x6e: {  	[sflag:s7] =	ssyncadd.s32 $0xFFFFFF80  }
0x6f: {  	[tilespmem:s31], [sflag:$0x1] =	stream.indirect.gather [spmem:s2], $0x40, s4, s0, $0xb8;
	[tilespmem:$0x1C200] =	vst v63  }
0x70: {  	_ =	swait.ge [sflag:s8], $0x80  }
0x71: {  	[sflag:s8] =	ssyncset.done $0x0  }
0x72: {  	[sflag:s8] =	ssyncadd.s32 $0xFFFFFF80  }
0x73: {  	[tilespmem:s29], [sflag:$0x2] =	stream.indirect.gather [spmem:s2], $0x40, s0, s0, $0xb8;
	[tilespmem:$0x1C200] =	vst v63  }
0x74: {  	_ =	swait.ge [sflag:s9], $0x2000  }
0x75: {  	[sflag:s9] =	ssyncset.done $0x0  }
0x76: {  	[sflag:s9] =	ssyncadd.s32 $0xFFFFE000  }
0x77: {  	_ =	swait.ge [sflag:s10], $0x80  }
0x78: {  	s18 =	sadd.s32 $0xFFFFF640, s22;
	[sflag:s10] =	ssyncset.done $0x0  }
0x79: {  	s16 =	sadd.s32 $0x9E0, s18;
	[sflag:s10] =	ssyncadd.s32 $0xFFFFFF80  }
0x7a: {  	[tilespmem:s4], [sflag:$0x5] =	stream.linear.gather [hbm4b:s16+s4], $0x80, $0x38;
	[tilespmem:$0x1C200] =	vst v63  }
0x7b: {  	_ = 	snop  }
0x7c: {  	[spmem:s3] =	stream.indirect.scatter.add.f32 [tilespmem:s31], [sflag:$0x7], $0x40, s1, s0, $0xb8;
	[tilespmem:$0x1C200] =	vst v63  }
0x7d: {  	_ =	swait.ge [sflag:s30], $0x2000  }
0x7e: {  	s19 =	sadd.s32 $0xFFFFF640, s21;
	[sflag:s30] =	ssyncset.done $0x0  }
0x7f: {  	s17 =	sadd.s32 $0x9E0, s19;
	[sflag:s30] =	ssyncadd.s32 $0xFFFFE000  }
0x80: {  	[tilespmem:s1], [sflag:$0x3] =	stream.linear.gather [hbm4b:s17+s4], $0x80, $0x38;
	[tilespmem:$0x1C200] =	vst v63  }
0x81: {  	_ =	swait.ge [sflag:s7], $0x80  }
0x82: {  	[sflag:s7] =	ssyncset.done $0x0  }
0x83: {  	[sflag:s7] =	ssyncadd.s32 $0xFFFFFF80  }
0x84: {  	[tilespmem:s31], [sflag:$0x1] =	stream.indirect.gather [spmem:s2], $0x40, s4, s0, $0xb8;
	[tilespmem:$0x1C200] =	vst v63  }
0x85: {  	_ =	swait.ge [sflag:s12], $0x2000  }
0x86: {  	[sflag:s12] =	ssyncset.done $0x0  }
0x87: {  	[sflag:s12] =	ssyncadd.s32 $0xFFFFE000  }
0x88: {  	_ =	swait.ge [sflag:s13], $0x80  }
0x89: {  	[sflag:s13] =	ssyncset.done $0x0  }
0x8a: {  	s15 =	sadd.s32 $0x9F0, s18;
	[sflag:s13] =	ssyncadd.s32 $0xFFFFFF80  }
0x8b: {  	[tilespmem:s0], [sflag:$0x6] =	stream.linear.gather [hbm4b:s15+s4], $0x80, $0x38;
	[tilespmem:$0x1C200] =	vst v63  }
0x8c: {  	_ = 	snop  }
0x8d: {  	[spmem:s3] =	stream.indirect.scatter.add.f32 [tilespmem:s29], [sflag:$0x7], $0x40, s6, s0, $0xb8;
	[tilespmem:$0x1C200] =	vst v63  }
0x8e: {  	_ =	swait.ge [sflag:s30], $0x2000  }
0x8f: {  	[sflag:s30] =	ssyncset.done $0x0  }
0x90: {  	s20 =	sadd.s32 $0x9F0, s19;
	[sflag:s30] =	ssyncadd.s32 $0xFFFFE000  }
0x91: {  	[tilespmem:s6], [sflag:$0x4] =	stream.linear.gather [hbm4b:s20+s4], $0x80, $0x38;
	[tilespmem:$0x1C200] =	vst v63  }
0x92: {  	_ =	swait.ge [sflag:s8], $0x80  }
0x93: {  	[sflag:s8] =	ssyncset.done $0x0  }
0x94: {  	[sflag:s8] =	ssyncadd.s32 $0xFFFFFF80  }
0x95: {  	[tilespmem:s29], [sflag:$0x2] =	stream.indirect.gather [spmem:s2], $0x40, s0, s0, $0xb8;
	[tilespmem:$0x1C200] =	vst v63  }
0x96: {  	_ =	swait.ge [sflag:s9], $0x2000  }
0x97: {  	[sflag:s9] =	ssyncset.done $0x0  }
0x98: {  	[sflag:s9] =	ssyncadd.s32 $0xFFFFE000  }
0x99: {  	s16 =	simm.s32 $0xFFFFF680;
	_ =	swait.ge [sflag:s10], $0x80  }
0x9a: {  	s17 =	sadd.s32 $0xFFFFF660, s22;
	s15 =	simm.s32 $0xFFFFF660;
	[sflag:s10] =	ssyncset.done $0x0  }
.LBB2_4:
0x9b: {  	s19 =	sadd.s32 $0x9E0, s17  }
0x9c: {  	[sflag:s10] =	ssyncadd.s32 $0xFFFFFF80;
	s20 =	smov.u32 s16;
	s18 =	sadd.s32 $0x20, s16  }
0x9d: {  	[tilespmem:s4], [sflag:$0x5] =	stream.linear.gather [hbm4b:s19+s4], $0x80, $0x38;
	[tilespmem:$0x1C200] =	vst v63  }
0x9e: {  	p0 =	sne.s32 s16, $0xFFFFFFE0  }
0x9f: {  	[spmem:s3] =	stream.indirect.scatter.add.f32 [tilespmem:s31], [sflag:$0x7], $0x40, s1, s0, $0xb8;
	[tilespmem:$0x1C200] =	vst v63  }
0xa0: {  	_ =	swait.ge [sflag:s30], $0x2000  }
0xa1: {  	s16 =	sadd.s32 s15, s21;
	s15 =	smov.u32 s20;
	[sflag:s30] =	ssyncset.done $0x0  }
0xa2: {  	s19 =	sadd.s32 $0x9E0, s16;
	[sflag:s30] =	ssyncadd.s32 $0xFFFFE000  }
0xa3: {  	[tilespmem:s1], [sflag:$0x3] =	stream.linear.gather [hbm4b:s19+s4], $0x80, $0x38;
	[tilespmem:$0x1C200] =	vst v63  }
0xa4: {  	_ =	swait.ge [sflag:s7], $0x80  }
0xa5: {  	[sflag:s7] =	ssyncset.done $0x0  }
0xa6: {  	[sflag:s7] =	ssyncadd.s32 $0xFFFFFF80  }
0xa7: {  	[tilespmem:s31], [sflag:$0x1] =	stream.indirect.gather [spmem:s2], $0x40, s4, s0, $0xb8;
	[tilespmem:$0x1C200] =	vst v63  }
0xa8: {  	_ =	swait.ge [sflag:s12], $0x2000  }
0xa9: {  	[sflag:s12] =	ssyncset.done $0x0  }
0xaa: {  	[sflag:s12] =	ssyncadd.s32 $0xFFFFE000  }
0xab: {  	_ =	swait.ge [sflag:s13], $0x80  }
0xac: {  	[sflag:s13] =	ssyncset.done $0x0  }
0xad: {  	s17 =	sadd.s32 $0x9F0, s17;
	[sflag:s13] =	ssyncadd.s32 $0xFFFFFF80  }
0xae: {  	[tilespmem:s0], [sflag:$0x6] =	stream.linear.gather [hbm4b:s17+s4], $0x80, $0x38;
	[tilespmem:$0x1C200] =	vst v63  }
0xaf: {  	_ = 	snop  }
0xb0: {  	[spmem:s3] =	stream.indirect.scatter.add.f32 [tilespmem:s29], [sflag:$0x7], $0x40, s6, s0, $0xb8;
	[tilespmem:$0x1C200] =	vst v63  }
0xb1: {  	_ =	swait.ge [sflag:s30], $0x2000  }
0xb2: {  	[sflag:s30] =	ssyncset.done $0x0  }
0xb3: {  	s16 =	sadd.s32 $0x9F0, s16;
	[sflag:s30] =	ssyncadd.s32 $0xFFFFE000  }
0xb4: {  	[tilespmem:s6], [sflag:$0x4] =	stream.linear.gather [hbm4b:s16+s4], $0x80, $0x38;
	[tilespmem:$0x1C200] =	vst v63  }
0xb5: {  	_ =	swait.ge [sflag:s8], $0x80  }
0xb6: {  	[sflag:s8] =	ssyncset.done $0x0  }
0xb7: {  	[sflag:s8] =	ssyncadd.s32 $0xFFFFFF80  }
0xb8: {  	[tilespmem:s29], [sflag:$0x2] =	stream.indirect.gather [spmem:s2], $0x40, s0, s0, $0xb8;
	[tilespmem:$0x1C200] =	vst v63  }
.Ltmp1:
0xb9: {  	_ =	swait.ge [sflag:s9], $0x2000;
	(pc) =	sbr.rel @p0 .LBB2_4-.Ltmp1, $4  }
0xba: {  	[sflag:s9] =	ssyncset.done $0x0  }
0xbb: {  	[sflag:s9] =	ssyncadd.s32 $0xFFFFE000  }
0xbc: {  	_ =	swait.ge [sflag:s10], $0x80  }
0xbd: {  	s17 =	sadd.s32 s15, s22;
	s16 =	smov.u32 s18;
	[sflag:s10] =	ssyncset.done $0x0  }
0xbe: {  	s16 =	sadd.s32 $0x9E0, s17;
	[sflag:s10] =	ssyncadd.s32 $0xFFFFFF80  }
0xbf: {  	[tilespmem:s4], [sflag:$0x5] =	stream.linear.gather [hbm4b:s16+s4], $0x80, $0x38;
	[tilespmem:$0x1C200] =	vst v63  }
0xc0: {  	_ = 	snop  }
0xc1: {  	[spmem:s3] =	stream.indirect.scatter.add.f32 [tilespmem:s31], [sflag:$0x7], $0x40, s1, s0, $0xb8;
	[tilespmem:$0x1C200] =	vst v63  }
0xc2: {  	_ =	swait.ge [sflag:s30], $0x2000  }
0xc3: {  	s15 =	sadd.s32 s15, s21;
	[sflag:s30] =	ssyncset.done $0x0  }
0xc4: {  	s20 =	sadd.s32 $0x9E0, s15;
	[sflag:s30] =	ssyncadd.s32 $0xFFFFE000  }
0xc5: {  	[tilespmem:s1], [sflag:$0x3] =	stream.linear.gather [hbm4b:s20+s4], $0x80, $0x38;
	[tilespmem:$0x1C200] =	vst v63  }
0xc6: {  	_ =	swait.ge [sflag:s7], $0x80  }
0xc7: {  	[sflag:s7] =	ssyncset.done $0x0  }
0xc8: {  	[sflag:s7] =	ssyncadd.s32 $0xFFFFFF80  }
0xc9: {  	[tilespmem:s31], [sflag:$0x1] =	stream.indirect.gather [spmem:s2], $0x40, s4, s0, $0xb8;
	[tilespmem:$0x1C200] =	vst v63  }
0xca: {  	_ =	swait.ge [sflag:s12], $0x2000  }
0xcb: {  	[sflag:s12] =	ssyncset.done $0x0  }
0xcc: {  	[sflag:s12] =	ssyncadd.s32 $0xFFFFE000  }
0xcd: {  	_ =	swait.ge [sflag:s13], $0x80  }
0xce: {  	[sflag:s13] =	ssyncset.done $0x0  }
0xcf: {  	s17 =	sadd.s32 $0x9F0, s17;
	[sflag:s13] =	ssyncadd.s32 $0xFFFFFF80  }
0xd0: {  	[tilespmem:s0], [sflag:$0x6] =	stream.linear.gather [hbm4b:s17+s4], $0x80, $0x38;
	[tilespmem:$0x1C200] =	vst v63  }
0xd1: {  	_ = 	snop  }
0xd2: {  	[spmem:s3] =	stream.indirect.scatter.add.f32 [tilespmem:s29], [sflag:$0x7], $0x40, s6, s0, $0xb8;
	[tilespmem:$0x1C200] =	vst v63  }
0xd3: {  	_ =	swait.ge [sflag:s30], $0x2000  }
0xd4: {  	[sflag:s30] =	ssyncset.done $0x0  }
0xd5: {  	s15 =	sadd.s32 $0x9F0, s15;
	[sflag:s30] =	ssyncadd.s32 $0xFFFFE000  }
0xd6: {  	[tilespmem:s6], [sflag:$0x4] =	stream.linear.gather [hbm4b:s15+s4], $0x80, $0x38;
	[tilespmem:$0x1C200] =	vst v63  }
0xd7: {  	_ =	swait.ge [sflag:s8], $0x80  }
0xd8: {  	[sflag:s8] =	ssyncset.done $0x0  }
0xd9: {  	[sflag:s8] =	ssyncadd.s32 $0xFFFFFF80  }
0xda: {  	[tilespmem:s29], [sflag:$0x2] =	stream.indirect.gather [spmem:s2], $0x40, s0, s0, $0xb8;
	[tilespmem:$0x1C200] =	vst v63  }
0xdb: {  	_ =	swait.ge [sflag:s9], $0x2000  }
0xdc: {  	[sflag:s9] =	ssyncset.done $0x0  }
0xdd: {  	[sflag:s9] =	ssyncadd.s32 $0xFFFFE000  }
0xde: {  	_ =	swait.ge [sflag:s10], $0x80  }
0xdf: {  	[sflag:s10] =	ssyncset.done $0x0  }
0xe0: {  	[sflag:s10] =	ssyncadd.s32 $0xFFFFFF80  }
0xe1: {  	[spmem:s3] =	stream.indirect.scatter.add.f32 [tilespmem:s31], [sflag:$0x7], $0x40, s1, s0, $0xb8;
	[tilespmem:$0x1C200] =	vst v63  }
0xe2: {  	_ =	swait.ge [sflag:s30], $0x2000  }
0xe3: {  	[sflag:s30] =	ssyncset.done $0x0  }
0xe4: {  	[sflag:s30] =	ssyncadd.s32 $0xFFFFE000  }
0xe5: {  	_ =	swait.ge [sflag:s12], $0x2000  }
0xe6: {  	[sflag:s12] =	ssyncset.done $0x0  }
0xe7: {  	[sflag:s12] =	ssyncadd.s32 $0xFFFFE000  }
0xe8: {  	_ =	swait.ge [sflag:s13], $0x80  }
0xe9: {  	[sflag:s13] =	ssyncset.done $0x0  }
0xea: {  	[sflag:s13] =	ssyncadd.s32 $0xFFFFFF80  }
0xeb: {  	[spmem:s3] =	stream.indirect.scatter.add.f32 [tilespmem:s29], [sflag:$0x7], $0x40, s6, s0, $0xb8;
	[tilespmem:$0x1C200] =	vst v63  }
0xec: {  	_ =	swait.ge [sflag:s30], $0x2000  }
0xed: {  	s18 =	stileid.u32;
	[sflag:s30] =	ssyncset.done $0x0  }
0xee: {  	s15 =	sshll.u32 s18, $0x6;
	[sflag:s30] =	ssyncadd.s32 $0xFFFFE000  }
0xef: {  	s19 =	sshrl.u32 s5, $0x3;
	s15 =	sor.u32 $0x1C07, s15;
	[bflag:$0x0] =	sbarrier.arrive $0xFFFF  }
0xf0: {  	[hbm:s24], [sflag:s15] =	dma.local [spmem:s19], $0x2800  }
0xf1: {  	_ =	swait.ge [sflag:s30], $0x2800  }
0xf2: {  	s14 =	sadd.s32 $0x1, s14;
	s20 =	rddreg [dreg:$0x9]  }
0xf3: {  	p0 =	sne.s32 s14, s20  }
.Ltmp2:
0xf4: {  	_ = 	snop;
	(pc) =	sbr.rel @p0 .LBB2_1-.Ltmp2, $3  }
0xf5: {  	_ =	sdelay $0x1  }
0xf6: {  	[sflag:s30] =	ssyncset.done $0x0  }
0xf7: {  	[sflag:s30] =	ssyncadd.s32 $0xFFFFD800  }
0xf8: {  	_ =	sfence.sel $0x180000  }
0xf9: {  	[bflag:$0x0] =	sbarrier.arrive $0xFFFF  }
0xfa: {  	_ =	strace $0x9000004A  }
0xfb: {  	s0 =	stileid.u32;
	[bflag:$0x2] =	sbarrier.arrive $0xFFFF  }
0xfc: {  	p0 =	sne.s32 s0, $0x0;
	s0 =	rddreg [dreg:$0x4]  }
0xfd: {  	s0 =	sadd.s32 @!p0 $0x100000, s0  }
0xfe: {  	[sflag:s0] =	ssyncadd.tile.s32 @!p0 $0x1;
	_ =	shalt  }
.Lfunc_end2:
_tile_overlayer_lowered:
.L_overlay_start_2:
0xff: {  	(tag) =	ssettag $0x2  }
0x100: {  	s0 =	rddreg [dreg:$0x0];
	s2 =	stileid.u32  }
0x101: {  	s1 =	rddreg [dreg:$0x1];
	p0 =	sne.s32 s2, $0x0  }
0x102: {  	s3 =	rddreg [dreg:$0x2];
	[bflag:$0x3] =	sbarrier.arrive $0xFFFF;
	s2 =	simm.s32 @!p0 $0x1C07  }
0x103: {  	[timem:s3], [sflag:s2] =	dma.local @!p0 [hbm:s0], s1  }
0x104: {  	s0 =	simm.s32 @!p0 $0x7  }
0x105: {  	_ =	swait.ge @!p0 [sflag:s0], s1  }
0x106: {  	s1 =	ssub.s32 @!p0 $0x0, s1;
	[sflag:s0] =	ssyncset.done @!p0 $0x0  }
0x107: {  	[sflag:s0] =	ssyncadd.s32 @!p0 s1  }
0x108: {  	[bflag:$0x3] =	sbarrier.arrive $0xFFFF  }
0x109: {  	_ =	shalt  }

// kernel: kernel.15.cloned.1.call-start
scs
__scs_entry_jumppad:
0x0: {  	(pc) =	sbr.rel $0x88, $3  }
0x1: {  	(tag) =	ssettag $0x0;
	lr =	simm.s32 $0x1  }
0x2: {  	[smem:$0x3F9D] =	sst lr;
	_ =	strace $0xD0000000  }
0x3: {  	_ = 	snop  }
0x4: {  	_ = 	snop  }
0x5: {  	_ = 	snop  }
0x6: {  	_ = 	snop  }
0x7: {  	_ = 	snop  }
__scs_overlays_trampoline_lowered:
0x8: {  	[smem:$0x3FAC] =	sst s0  }
0x9: {  	[smem:$0x3FAD] =	sst s1  }
0xa: {  	[smem:$0x3FAE] =	sst s2  }
0xb: {  	[smem:$0x3FAF] =	sst s3  }
0xc: {  	[smem:$0x3FB0] =	sst s4  }
0xd: {  	[smem:$0x3FB1] =	sst s5  }
0xe: {  	[smem:$0x3FB2] =	sst s6  }
0xf: {  	[smem:$0x3FB3] =	sst s7  }
0x10: {  	[smem:$0x3FB4] =	sst s8  }
0x11: {  	[smem:$0x3FB5] =	sst s9;
	s0 =	simm.s32 @!p0 $0x0  }
0x12: {  	s1 =	sld [smem:$0x3F9B];
	s0 =	simm.s32 @p0 $0x1  }
0x13: {  	[smem:$0x3FB6] =	sst s0;
	s0 =	simm.s32 @!p1 $0x0  }
0x14: {  	s2 =	sld [smem:$0x3F9A];
	s0 =	simm.s32 @p1 $0x1  }
0x15: {  	[smem:$0x3FB7] =	sst s0;
	s0 =	simm.s32 @!p2 $0x0  }
0x16: {  	s3 =	sld [smem:$0x3FDB];
	s0 =	simm.s32 @p2 $0x1  }
0x17: {  	s4 =	simm.s32 $0x1BF5;
	[smem:$0x3FB9] =	sst s0  }
0x18: {  	s0 =	sld [smem:$0x3F9C];
	_ =	swait.ge [sflag:s4], $0x0  }
0x19: {  	s7 =	sld [smem:$0x3F9D]  }
0x1a: {  	s8 =	sadd.s32 $0xFFFFE003, lr  }
0x1b: {  	s9 =	sadd.s32 $0xFFFFFEF7, lr;
	s5 =	simm.s32 $0xFFFFFFFF;
	p2 =	slt.u32 s8, $0xFFFFF086  }
0x1c: {  	p1 =	slt.u32 s9, $0xF7A;
	s5 =	simm.s32 @!p2 $0x0  }
0x1d: {  	s5 =	simm.s32 @p1 $0x1;
	p0 =	seq.s32 s7, s2  }
0x1e: {  	s7 =	smul.u32 @!p0 $0xF7A, s2;
	p2 =	seq.s32 @!p0 s5, $0x0  }
0x1f: {  	s9 =	smul.u32 $0xF7A, s1;
	s8 =	simm.s32 @!p0 $0x1BF5;
	p2 =	por !p2, p0  }
0x20: {  	[sflag:s8] =	ssyncset.s32 @!p0 $0xFFFFF086;
	s6 =	sadd.s32 @!p0 s3, s7;
	s7 =	simm.s32 @!p0 $0x108  }
0x21: {  	s3 =	sadd.s32 s3, s9;
	s6 =	sadd.s32 @!p0 $0x88, s6;
	s7 =	simm.s32 @p2 $0x1082  }
0x22: {  	[simem:s7], [sflag:s8] =	dma.local @!p0 [hbm:s6], $0xF7A  }
0x23: {  	s9 =	sor.u32 $0xD0000000, s2;
	s6 =	simm.s32 $0x108;
	_ =	swait.ge @!p0 [sflag:s8], $0x0  }
0x24: {  	s3 =	sadd.s32 $0x88, s3;
	s6 =	simm.s32 @!p1 $0x1082;
	[sflag:s4] =	ssyncset.s32 $0xFFFFF086  }
0x25: {  	[simem:s6], [sflag:s4] =	dma.local [hbm:s3], $0xF7A  }
0x26: {  	[smem:$0x3F9D] =	sst s1;
	(tag) =	ssettag s2;
	_ =	strace s9  }
0x27: {  	s1 =	sld [smem:$0x3FAD]  }
0x28: {  	s2 =	sld [smem:$0x3FAE]  }
0x29: {  	s4 =	sld [smem:$0x3FB0]  }
0x2a: {  	p0 =	seq.s32 s5, $0x0;
	s5 =	sld [smem:$0x3FB1]  }
0x2b: {  	s6 =	sld [smem:$0x3FB2]  }
0x2c: {  	s7 =	sld [smem:$0x3FB3]  }
0x2d: {  	s3 =	simm.s32 $0x108;
	s8 =	sld [smem:$0x3FB4]  }
0x2e: {  	s3 =	simm.s32 @!p0 $0x1082;
	s9 =	sld [smem:$0x3FB5]  }
0x2f: {  	lr =	sadd.s32 s0, s3;
	s0 =	sld [smem:$0x3FAC]  }
0x30: {  	s3 =	sld [smem:$0x3FAF]  }
0x31: {  	[smem:$0x3FB8] =	sst s10  }
0x32: {  	s10 =	sld [smem:$0x3FB6];
	_ =	sdelay $0x3  }
0x33: {  	p0 =	seq.s32 s10, $0x1;
	s10 =	sld [smem:$0x3FB8];
	_ =	sdelay $0x3  }
0x34: {  	[smem:$0x3FB8] =	sst s10  }
0x35: {  	s10 =	sld [smem:$0x3FB7];
	_ =	sdelay $0x3  }
0x36: {  	p1 =	seq.s32 s10, $0x1;
	s10 =	sld [smem:$0x3FB8];
	_ =	sdelay $0x3  }
0x37: {  	[smem:$0x3FB8] =	sst s10  }
0x38: {  	s10 =	sld [smem:$0x3FB9]  }
0x39: {  	_ = 	snop;
	(pc) =	sbr.ind lr, $3  }
0x3a: {  	_ = 	snop  }
0x3b: {  	_ = 	snop  }
0x3c: {  	p2 =	seq.s32 s10, $0x1;
	s10 =	sld [smem:$0x3FB8]  }
0x3d: {  	_ =	shalt  }
0x3e: {  	_ =	shalt  }
0x3f: {  	_ =	shalt  }
0x40: {  	_ =	shalt  }
0x41: {  	_ =	shalt  }
0x42: {  	_ =	shalt  }
0x43: {  	_ =	shalt  }
0x44: {  	_ =	shalt  }
0x45: {  	_ =	shalt  }
0x46: {  	_ =	shalt  }
0x47: {  	_ =	shalt  }
0x48: {  	_ =	shalt  }
0x49: {  	_ =	shalt  }
0x4a: {  	_ =	shalt  }
0x4b: {  	_ =	shalt  }
0x4c: {  	_ =	shalt  }
0x4d: {  	_ =	shalt  }
0x4e: {  	_ =	shalt  }
0x4f: {  	_ =	shalt  }
0x50: {  	_ =	shalt  }
0x51: {  	_ =	shalt  }
0x52: {  	_ =	shalt  }
0x53: {  	_ =	shalt  }
0x54: {  	_ =	shalt  }
0x55: {  	_ =	shalt  }
0x56: {  	_ =	shalt  }
0x57: {  	_ =	shalt  }
0x58: {  	_ =	shalt  }
0x59: {  	_ =	shalt  }
0x5a: {  	_ =	shalt  }
0x5b: {  	_ =	shalt  }
0x5c: {  	_ =	shalt  }
0x5d: {  	_ =	shalt  }
0x5e: {  	_ =	shalt  }
0x5f: {  	_ =	shalt  }
0x60: {  	_ =	shalt  }
0x61: {  	_ =	shalt  }
0x62: {  	_ =	shalt  }
0x63: {  	_ =	shalt  }
0x64: {  	_ =	shalt  }
0x65: {  	_ =	shalt  }
0x66: {  	_ =	shalt  }
0x67: {  	_ =	shalt  }
0x68: {  	_ =	shalt  }
0x69: {  	_ =	shalt  }
0x6a: {  	_ =	shalt  }
0x6b: {  	_ =	shalt  }
0x6c: {  	_ =	shalt  }
0x6d: {  	_ =	shalt  }
0x6e: {  	_ =	shalt  }
0x6f: {  	_ =	shalt  }
0x70: {  	_ =	shalt  }
0x71: {  	_ =	shalt  }
0x72: {  	_ =	shalt  }
0x73: {  	_ =	shalt  }
0x74: {  	_ =	shalt  }
0x75: {  	_ =	shalt  }
0x76: {  	_ =	shalt  }
0x77: {  	_ =	shalt  }
0x78: {  	_ =	shalt  }
0x79: {  	_ =	shalt  }
0x7a: {  	_ =	shalt  }
0x7b: {  	_ =	shalt  }
0x7c: {  	_ =	shalt  }
0x7d: {  	_ =	shalt  }
0x7e: {  	_ =	shalt  }
0x7f: {  	_ =	shalt  }
0x80: {  	_ =	shalt  }
0x81: {  	_ =	shalt  }
0x82: {  	_ =	shalt  }
0x83: {  	_ =	shalt  }
0x84: {  	_ =	shalt  }
0x85: {  	_ =	shalt  }
0x86: {  	_ =	shalt  }
0x87: {  	_ =	shalt  }
.Lfunc_end0:
.L_simem_size_0:
called_computation.2_lowered:
.L_overlay_start_0:
0x88: {  	s2 =	sld [smem:$0x3FD9]  }
0x89: {  	s3 =	sld [smem:$0x3FFE];
	_ =	sdelay $0x1  }
0x8a: {  	s1 =	srdreg.scid  }
0x8b: {  	s0 =	sand.u32 $0x1, s1  }
0x8c: {  	s17 =	sshll.u32 s0, $0xA;
	s2 =	sadd.s32 s3, s2  }
0x8d: {  	s2 =	sadd.s32 s2, s17  }
0x8e: {  	[smem:$0x3FC4] =	sst s2  }
0x8f: {  	_ = 	snop  }
0x90: {  	s2 =	sld [smem:$0x3FD0];
	(tm) =	ssettm $0x1  }
0x91: {  	s18 =	sld [smem:$0x3FFB];
	_ =	sdelay $0x3  }
0x92: {  	_ =	strace s18  }
0x93: {  	s3 =	sld [smem:$0x3FFC];
	_ =	sdelay $0x3  }
0x94: {  	_ =	strace s3  }
0x95: {  	s3 =	sld [smem:$0x3FFD];
	_ =	sdelay $0x3  }
0x96: {  	_ =	strace s3  }
0x97: {  	_ =	strace $0x8FFFFFFF  }
0x98: {  	s19 =	sld [smem:$0x3FDB];
	_ =	sdelay $0x1  }
0x99: {  	s4 =	simm.s32 $_scs_section_size  }
0x9a: {  	s5 =	simm.s32 $_size__tile_overlayer_lowered;
	s6 =	simm.s32 $_tile_overlayer_lowered  }
0x9b: {  	s22 =	simm.s32 $0x1BFF;
	s21 =	sshll.u32 s6, $0x1;
	s3 =	sadd.s32 s4, s19  }
0x9c: {  	s7 =	simm.s32 $0x0;
	s20 =	sshll.u32 s5, $0x1;
	s5 =	sadd.s32 s21, s3  }
0x9d: {  	[timem:s7], [sflag:s22] =	dma.local [hbm:s5], s20  }
0x9e: {  	_ =	swait.ge [sflag:s22], s20  }
0x9f: {  	s4 =	ssub.s32 $0x0, s20;
	[sflag:s22] =	ssyncset.done $0x0  }
0xa0: {  	[sflag:s22] =	ssyncadd.s32 s4;
	_ =	sdelay $0x1  }
0xa1: {  	s23 =	simm.s32 $0x1B8B  }
0xa2: {  	_ =	swait.ge [sflag:s23], $0x1  }
0xa3: {  	[sflag:s23] =	ssyncset.done $0x0  }
0xa4: {  	s25 =	simm.s32 $0x1B8E;
	s24 =	sld [smem:$0x3FFE];
	[sflag:s23] =	ssyncadd.s32 $0xFFFFFFFF  }
0xa5: {  	s26 =	simm.s32 $execute0_lowered;
	[smem:$0x3FD2] =	sst s25  }
0xa6: {  	s5 =	sshll.u32 s26, $0x1;
	_ =	strace $0x8000004C;
	[dreg:$0x1] =	wrdreg $0xFFFFFFFF  }
0xa7: {  	s28 =	simm.s32 $_size_execute0_lowered;
	s3 =	sadd.s32 s3, s5;
	[dreg:$0x0] =	wrdreg $0x0  }
0xa8: {  	s5 =	sshll.u32 s28, $0x1;
	[dreg:$0x2] =	wrdreg s3  }
0xa9: {  	[dreg:$0x3] =	wrdreg s5  }
0xaa: {  	[dreg:$0x4] =	wrdreg $0xC0  }
0xab: {  	_ =	task [dreg:s7], $0x5FFFF  }
0xac: {  	[dreg:$0x1] =	wrdreg $0xFFFFFFFF  }
0xad: {  	[dreg:$0x0] =	wrdreg $0x60  }
0xae: {  	[dreg:$0x2] =	wrdreg s24  }
0xaf: {  	[dreg:$0x3] =	wrdreg s2  }
0xb0: {  	[dreg:$0x4] =	wrdreg $0x82000  }
0xb1: {  	[dreg:$0x5] =	wrdreg $0x122000  }
0xb2: {  	[dreg:$0x6] =	wrdreg $0x9  }
0xb3: {  	_ =	task.clear_ibuf [dreg:s7], $0x7FFFF;
	_ =	strace $0x9000004C  }
0xb4: {  	s29 =	simm.s32 $0x9;
	_ =	strace $0x8000004E  }
0xb5: {  	_ =	swait.ge [sflag:s29], $0x1  }
0xb6: {  	[sflag:s29] =	ssyncadd.s32 $0xFFFFFFFF  }
0xb7: {  	_ =	strace $0x9000004E  }
0xb8: {  	_ =	sfence  }
0xb9: {  	s30 =	sld [smem:$0x0];
	_ =	sdelay $0x2  }
0xba: {  	s31 =	sshll.u32 s1, $0xD;
	s1 =	sshrl.u32 s1, $0x2  }
0xbb: {  	s3 =	sand.u32 $0x4000, s31;
	s1 =	sadd.s32 s1, s30  }
0xbc: {  	s0 =	sor.u32 s3, s0;
	s1 =	sshll.u32 s1, $0x11  }
0xbd: {  	s0 =	sor.u32 s1, s0  }
0xbe: {  	s0 =	sadd.s32 $0x8F2B, s0  }
0xbf: {  	[sflag:s0] =	ssyncadd.remote.s32 $0x1  }
0xc0: {  	_ =	sfence.sel $0xFFFF  }
0xc1: {  	[dreg:$0x0] =	wrdreg $0xFFFFFFFF;
	(pc) =	sbr.abs _section_cstart, $3  }
0xc2: {  	[dreg:$0x1] =	wrdreg $0xFFFFFFFF  }
0xc3: {  	_ =	task.clear_ibuf [dreg:s7], $0x2FFFF;
	_ =	strace $0x9FFFFFFF  }
0xc4: {  	(tm) =	ssettm $0x7FFFFFFF  }
0xc5: {  	_ =	shalt  }
tec
execute0_lowered:
.L_overlay_start_1:
0x0: {  	(tag) =	ssettag $0x1  }
0x1: {  	s0 =	rddreg [dreg:$0x0]  }
0x2: {  	s1 =	srdreg.scid;
	s12 =	stileid.u32  }
0x3: {  	s6 =	rddreg [dreg:$0x1];
	s7 =	smul.u32 $0x280, s12  }
0x4: {  	s2 =	rddreg [dreg:$0x2];
	s11 =	smul.u32 $0x50000, s12  }
0x5: {  	s3 =	rddreg [dreg:$0x3];
	s4 =	simm.s32 $0x0;
	s10 =	smul.u32 $0x4F00, s12  }
0x6: {  	s29 =	simm.s32 $0x4200;
	s30 =	simm.s32 $0x7;
	s17 =	smul.u32 $0x2800, s12  }
0x7: {  	s31 =	simm.s32 $0x200;
	s1 =	sand.u32 $0x1, s1;
	s23 =	smul.u32 $0x9E0, s12  }
0x8: {  	[smem:$0x7FF] =	sst s4;
	s9 =	sadd.s32 $0x2000, s0;
	s5 =	smul.u32 $0x2800, s1  }
0x9: {  	s12 =	simm.s32 $0x2;
	s26 =	smul.u32 $0x28000, s1;
	s1 =	ssub.s32 $0x2, s1  }
0xa: {  	_ =	strace $0x8000004D;
	s13 =	sshrl.u32 s1, $0x1;
	s14 =	sshrl.u32 s10, $0x3  }
0xb: {  	s11 =	sshrl.u32 s11, $0x2;
	s5 =	sadd.s32 s7, s5;
	s10 =	sadd.s32 s9, s14  }
0xc: {  	s15 =	sadd.s32 s6, s14;
	s7 =	sor.u32 $0x10, s14;
	[dreg:$0x5] =	wrdreg s10  }
0xd: {  	s1 =	ssub.s32 s1, s13;
	[dreg:$0x6] =	wrdreg s15;
	s16 =	sadd.s32 s9, s7  }
0xe: {  	s5 =	sshll.u32 s5, $0x4;
	s7 =	sadd.s32 s6, s7;
	[dreg:$0x7] =	wrdreg s16  }
0xf: {  	s1 =	smax.u32 s1, $0x1;
	s8 =	sadd.s32 s5, s0;
	[dreg:$0x8] =	wrdreg s7  }
0x10: {  	s5 =	sadd.s32 s11, s3;
	[dreg:$0x9] =	wrdreg s1;
	s18 =	sadd.s32 $0xBE00, s8  }
0x11: {  	s11 =	sadd.s32 s11, s2;
	s19 =	sadd.s32 $0xC600, s8;
	[dreg:$0xa] =	wrdreg s18  }
0x12: {  	s13 =	simm.s32 $0x4;
	s20 =	sadd.s32 $0x4000, s11;
	[dreg:$0xb] =	wrdreg s19  }
0x13: {  	s14 =	simm.s32 $0x0;
	s21 =	sadd.s32 $0xCE00, s8;
	[dreg:$0xc] =	wrdreg s20  }
0x14: {  	s10 =	simm.s32 $0x3;
	s22 =	sadd.s32 $0x8000, s11;
	[dreg:$0xd] =	wrdreg s21  }
0x15: {  	s0 =	sadd.s32 s26, s0;
	s24 =	sadd.s32 $0xD600, s8;
	[dreg:$0xe] =	wrdreg s22  }
0x16: {  	s1 =	simm.s32 $0x100;
	s25 =	sadd.s32 $0xC000, s11;
	[dreg:$0xf] =	wrdreg s24  }
0x17: {  	s7 =	simm.s32 $0x5;
	s8 =	sadd.s32 $0xDE00, s8;
	[dreg:$0x10] =	wrdreg s25  }
0x18: {  	s0 =	sadd.s32 $0x5BE00, s0;
	s26 =	sadd.s32 $0x10000, s11;
	[dreg:$0x11] =	wrdreg s8  }
0x19: {  	s28 =	sadd.s32 $0x10000, s5;
	[dreg:$0x12] =	wrdreg s26;
	s21 =	sadd.s32 s23, s6  }
0x1a: {  	s22 =	sadd.s32 s23, s9;
	s23 =	sadd.s32 $0x4000, s5;
	s24 =	sadd.s32 s17, s0  }
0x1b: {  	s25 =	sadd.s32 $0x8000, s5;
	s26 =	sadd.s32 $0xC000, s5;
	s0 =	simm.s32 $0x80  }
0x1c: {  	v0 =	vimm.f32 $0.0e+00;
	s6 =	simm.s32 $0x180;
	s8 =	simm.s32 $0x6;
	s9 =	simm.s32 $0x1  }
.LBB2_1:
0x1d: {  	s15 =	rddreg [dreg:$0xa]  }
0x1e: {  	[tilespmem:s29], [sflag:$0x7] =	stream.linear.gather [hbm4b:s15+s4], $0x4000, $0x38;
	[tilespmem:$0x1C200] =	vst v63  }
0x1f: {  	_ =	swait.ge [sflag:s30], $0x4000  }
0x20: {  	[sflag:s30] =	ssyncset.done $0x0  }
0x21: {  	[sflag:s30] =	ssyncadd.s32 $0xFFFFC000  }
0x22: {  	[spmem:s11] =	stream.linear.scatter [tilespmem:s29], [sflag:$0x7], $0x4000, $0x38;
	[tilespmem:$0x1C200] =	vst v63  }
0x23: {  	_ =	swait.ge [sflag:s30], $0x4000  }
0x24: {  	[sflag:s30] =	ssyncset.done $0x0  }
0x25: {  	s18 =	rddreg [dreg:$0xb];
	[sflag:s30] =	ssyncadd.s32 $0xFFFFC000  }
0x26: {  	[tilespmem:s29], [sflag:$0x7] =	stream.linear.gather [hbm4b:s18+s4], $0x4000, $0x38;
	[tilespmem:$0x1C200] =	vst v63  }
0x27: {  	_ =	swait.ge [sflag:s30], $0x4000  }
0x28: {  	[sflag:s30] =	ssyncset.done $0x0  }
0x29: {  	s19 =	rddreg [dreg:$0xc];
	[sflag:s30] =	ssyncadd.s32 $0xFFFFC000  }
0x2a: {  	[spmem:s19] =	stream.linear.scatter [tilespmem:s29], [sflag:$0x7], $0x4000, $0x38;
	[tilespmem:$0x1C200] =	vst v63  }
0x2b: {  	_ =	swait.ge [sflag:s30], $0x4000  }
0x2c: {  	[sflag:s30] =	ssyncset.done $0x0  }
0x2d: {  	s20 =	rddreg [dreg:$0xd];
	[sflag:s30] =	ssyncadd.s32 $0xFFFFC000  }
0x2e: {  	[tilespmem:s29], [sflag:$0x7] =	stream.linear.gather [hbm4b:s20+s4], $0x4000, $0x38;
	[tilespmem:$0x1C200] =	vst v63  }
0x2f: {  	_ =	swait.ge [sflag:s30], $0x4000  }
0x30: {  	[sflag:s30] =	ssyncset.done $0x0  }
0x31: {  	s16 =	rddreg [dreg:$0xe];
	[sflag:s30] =	ssyncadd.s32 $0xFFFFC000  }
0x32: {  	[spmem:s16] =	stream.linear.scatter [tilespmem:s29], [sflag:$0x7], $0x4000, $0x38;
	[tilespmem:$0x1C200] =	vst v63  }
0x33: {  	_ =	swait.ge [sflag:s30], $0x4000  }
0x34: {  	[sflag:s30] =	ssyncset.done $0x0  }
0x35: {  	s17 =	rddreg [dreg:$0xf];
	[sflag:s30] =	ssyncadd.s32 $0xFFFFC000  }
0x36: {  	[tilespmem:s29], [sflag:$0x7] =	stream.linear.gather [hbm4b:s17+s4], $0x4000, $0x38;
	[tilespmem:$0x1C200] =	vst v63  }
0x37: {  	_ =	swait.ge [sflag:s30], $0x4000  }
0x38: {  	[sflag:s30] =	ssyncset.done $0x0  }
0x39: {  	s18 =	rddreg [dreg:$0x10];
	[sflag:s30] =	ssyncadd.s32 $0xFFFFC000  }
0x3a: {  	[spmem:s18] =	stream.linear.scatter [tilespmem:s29], [sflag:$0x7], $0x4000, $0x38;
	[tilespmem:$0x1C200] =	vst v63  }
0x3b: {  	_ =	swait.ge [sflag:s30], $0x4000  }
0x3c: {  	[sflag:s30] =	ssyncset.done $0x0  }
0x3d: {  	s19 =	rddreg [dreg:$0x11];
	[sflag:s30] =	ssyncadd.s32 $0xFFFFC000  }
0x3e: {  	[tilespmem:s29], [sflag:$0x7] =	stream.linear.gather [hbm4b:s19+s4], $0x4000, $0x38;
	[tilespmem:$0x1C200] =	vst v63  }
0x3f: {  	_ =	swait.ge [sflag:s30], $0x4000  }
0x40: {  	[sflag:s30] =	ssyncset.done $0x0  }
0x41: {  	s20 =	rddreg [dreg:$0x12];
	[sflag:s30] =	ssyncadd.s32 $0xFFFFC000  }
0x42: {  	[spmem:s20] =	stream.linear.scatter [tilespmem:s29], [sflag:$0x7], $0x4000, $0x38;
	[tilespmem:$0x1C200] =	vst v63  }
0x43: {  	_ =	swait.ge [sflag:s30], $0x4000  }
0x44: {  	[sflag:s30] =	ssyncset.done $0x0  }
0x45: {  	s15 =	simm.s32 $0x0;
	s16 =	simm.s32 $0x200;
	[sflag:s30] =	ssyncadd.s32 $0xFFFFC000  }
.LBB2_2:
0x46: {  	p0 =	seq.s32 s16, $0xFE00;
	[tilespmem:s15+$0x230] =	vst v0;
	s17 =	smov.u32 s16;
	s16 =	sadd.s32 $0x200, s16  }
.Ltmp0:
0x47: {  	[tilespmem:s15+$0x220] =	vst v0;
	(pc) =	sbr.rel @!p0 .LBB2_2-.Ltmp0, $3  }
0x48: {  	[tilespmem:s15+$0x200] =	vst v0  }
0x49: {  	[tilespmem:s15+$0x210] =	vst v0;
	_ =	sdelay $0x1  }
0x4a: {  	s15 =	sshra.s32 s17, $0x2  }
0x4b: {  	[tilespmem:s15+$0x230] =	vst v0  }
0x4c: {  	[tilespmem:s15+$0x220] =	vst v0  }
0x4d: {  	[tilespmem:s15+$0x200] =	vst v0  }
0x4e: {  	[tilespmem:s15+$0x210] =	vst v0  }
0x4f: {  	[spmem:s5] =	stream.linear.scatter [tilespmem:s31], [sflag:$0x7], $0x4000, $0x38;
	[tilespmem:$0x1C200] =	vst v63  }
0x50: {  	_ =	swait.ge [sflag:s30], $0x4000  }
0x51: {  	[sflag:s30] =	ssyncset.done $0x0  }
0x52: {  	[sflag:s30] =	ssyncadd.s32 $0xFFFFC000  }
0x53: {  	[spmem:s23] =	stream.linear.scatter [tilespmem:s31], [sflag:$0x7], $0x4000, $0x38;
	[tilespmem:$0x1C200] =	vst v63  }
0x54: {  	_ =	swait.ge [sflag:s30], $0x4000  }
0x55: {  	[sflag:s30] =	ssyncset.done $0x0  }
0x56: {  	[sflag:s30] =	ssyncadd.s32 $0xFFFFC000  }
0x57: {  	[spmem:s25] =	stream.linear.scatter [tilespmem:s31], [sflag:$0x7], $0x4000, $0x38;
	[tilespmem:$0x1C200] =	vst v63  }
0x58: {  	_ =	swait.ge [sflag:s30], $0x4000  }
0x59: {  	[sflag:s30] =	ssyncset.done $0x0  }
0x5a: {  	[sflag:s30] =	ssyncadd.s32 $0xFFFFC000  }
0x5b: {  	[spmem:s26] =	stream.linear.scatter [tilespmem:s31], [sflag:$0x7], $0x4000, $0x38;
	[tilespmem:$0x1C200] =	vst v63  }
0x5c: {  	_ =	swait.ge [sflag:s30], $0x4000  }
0x5d: {  	[sflag:s30] =	ssyncset.done $0x0  }
0x5e: {  	[sflag:s30] =	ssyncadd.s32 $0xFFFFC000  }
0x5f: {  	[spmem:s28] =	stream.linear.scatter [tilespmem:s31], [sflag:$0x7], $0x4000, $0x38;
	[tilespmem:$0x1C200] =	vst v63  }
0x60: {  	_ =	swait.ge [sflag:s30], $0x4000  }
0x61: {  	[sflag:s30] =	ssyncset.done $0x0  }
0x62: {  	[sflag:s30] =	ssyncadd.s32 $0xFFFFC000  }
0x63: {  	[bflag:$0x0] =	sbarrier.arrive $0xFFFF  }
0x64: {  	s19 =	rddreg [dreg:$0x5]  }
0x65: {  	[tilespmem:s4], [sflag:$0x5] =	stream.linear.gather [hbm4b:s19+s4], $0x80, $0x38;
	[tilespmem:$0x1C200] =	vst v63  }
0x66: {  	s20 =	rddreg [dreg:$0x6]  }
0x67: {  	[tilespmem:s1], [sflag:$0x3] =	stream.linear.gather [hbm4b:s20+s4], $0x80, $0x38;
	[tilespmem:$0x1C200] =	vst v63  }
0x68: {  	s16 =	rddreg [dreg:$0x7]  }
0x69: {  	[tilespmem:s0], [sflag:$0x6] =	stream.linear.gather [hbm4b:s16+s4], $0x80, $0x38;
	[tilespmem:$0x1C200] =	vst v63  }
0x6a: {  	s17 =	rddreg [dreg:$0x8]  }
0x6b: {  	[tilespmem:s6], [sflag:$0x4] =	stream.linear.gather [hbm4b:s17+s4], $0x80, $0x38;
	[tilespmem:$0x1C200] =	vst v63  }
0x6c: {  	_ =	swait.ge [sflag:s7], $0x80  }
0x6d: {  	[sflag:s7] =	ssyncset.done $0x0  }
0x6e: {  	[sflag:s7] =	ssyncadd.s32 $0xFFFFFF80  }
0x6f: {  	[tilespmem:s31], [sflag:$0x1] =	stream.indirect.gather [spmem:s2], $0x40, s4, s0, $0xb8;
	[tilespmem:$0x1C200] =	vst v63  }
0x70: {  	_ =	swait.ge [sflag:s8], $0x80  }
0x71: {  	[sflag:s8] =	ssyncset.done $0x0  }
0x72: {  	[sflag:s8] =	ssyncadd.s32 $0xFFFFFF80  }
0x73: {  	[tilespmem:s29], [sflag:$0x2] =	stream.indirect.gather [spmem:s2], $0x40, s0, s0, $0xb8;
	[tilespmem:$0x1C200] =	vst v63  }
0x74: {  	_ =	swait.ge [sflag:s9], $0x2000  }
0x75: {  	[sflag:s9] =	ssyncset.done $0x0  }
0x76: {  	[sflag:s9] =	ssyncadd.s32 $0xFFFFE000  }
0x77: {  	_ =	swait.ge [sflag:s10], $0x80  }
0x78: {  	s18 =	sadd.s32 $0xFFFFF640, s22;
	[sflag:s10] =	ssyncset.done $0x0  }
0x79: {  	s16 =	sadd.s32 $0x9E0, s18;
	[sflag:s10] =	ssyncadd.s32 $0xFFFFFF80  }
0x7a: {  	[tilespmem:s4], [sflag:$0x5] =	stream.linear.gather [hbm4b:s16+s4], $0x80, $0x38;
	[tilespmem:$0x1C200] =	vst v63  }
0x7b: {  	_ = 	snop  }
0x7c: {  	[spmem:s3] =	stream.indirect.scatter.add.f32 [tilespmem:s31], [sflag:$0x7], $0x40, s1, s0, $0xb8;
	[tilespmem:$0x1C200] =	vst v63  }
0x7d: {  	_ =	swait.ge [sflag:s30], $0x2000  }
0x7e: {  	s19 =	sadd.s32 $0xFFFFF640, s21;
	[sflag:s30] =	ssyncset.done $0x0  }
0x7f: {  	s17 =	sadd.s32 $0x9E0, s19;
	[sflag:s30] =	ssyncadd.s32 $0xFFFFE000  }
0x80: {  	[tilespmem:s1], [sflag:$0x3] =	stream.linear.gather [hbm4b:s17+s4], $0x80, $0x38;
	[tilespmem:$0x1C200] =	vst v63  }
0x81: {  	_ =	swait.ge [sflag:s7], $0x80  }
0x82: {  	[sflag:s7] =	ssyncset.done $0x0  }
0x83: {  	[sflag:s7] =	ssyncadd.s32 $0xFFFFFF80  }
0x84: {  	[tilespmem:s31], [sflag:$0x1] =	stream.indirect.gather [spmem:s2], $0x40, s4, s0, $0xb8;
	[tilespmem:$0x1C200] =	vst v63  }
0x85: {  	_ =	swait.ge [sflag:s12], $0x2000  }
0x86: {  	[sflag:s12] =	ssyncset.done $0x0  }
0x87: {  	[sflag:s12] =	ssyncadd.s32 $0xFFFFE000  }
0x88: {  	_ =	swait.ge [sflag:s13], $0x80  }
0x89: {  	[sflag:s13] =	ssyncset.done $0x0  }
0x8a: {  	s15 =	sadd.s32 $0x9F0, s18;
	[sflag:s13] =	ssyncadd.s32 $0xFFFFFF80  }
0x8b: {  	[tilespmem:s0], [sflag:$0x6] =	stream.linear.gather [hbm4b:s15+s4], $0x80, $0x38;
	[tilespmem:$0x1C200] =	vst v63  }
0x8c: {  	_ = 	snop  }
0x8d: {  	[spmem:s3] =	stream.indirect.scatter.add.f32 [tilespmem:s29], [sflag:$0x7], $0x40, s6, s0, $0xb8;
	[tilespmem:$0x1C200] =	vst v63  }
0x8e: {  	_ =	swait.ge [sflag:s30], $0x2000  }
0x8f: {  	[sflag:s30] =	ssyncset.done $0x0  }
0x90: {  	s20 =	sadd.s32 $0x9F0, s19;
	[sflag:s30] =	ssyncadd.s32 $0xFFFFE000  }
0x91: {  	[tilespmem:s6], [sflag:$0x4] =	stream.linear.gather [hbm4b:s20+s4], $0x80, $0x38;
	[tilespmem:$0x1C200] =	vst v63  }
0x92: {  	_ =	swait.ge [sflag:s8], $0x80  }
0x93: {  	[sflag:s8] =	ssyncset.done $0x0  }
0x94: {  	[sflag:s8] =	ssyncadd.s32 $0xFFFFFF80  }
0x95: {  	[tilespmem:s29], [sflag:$0x2] =	stream.indirect.gather [spmem:s2], $0x40, s0, s0, $0xb8;
	[tilespmem:$0x1C200] =	vst v63  }
0x96: {  	_ =	swait.ge [sflag:s9], $0x2000  }
0x97: {  	[sflag:s9] =	ssyncset.done $0x0  }
0x98: {  	[sflag:s9] =	ssyncadd.s32 $0xFFFFE000  }
0x99: {  	s16 =	simm.s32 $0xFFFFF680;
	_ =	swait.ge [sflag:s10], $0x80  }
0x9a: {  	s17 =	sadd.s32 $0xFFFFF660, s22;
	s15 =	simm.s32 $0xFFFFF660;
	[sflag:s10] =	ssyncset.done $0x0  }
.LBB2_4:
0x9b: {  	s19 =	sadd.s32 $0x9E0, s17  }
0x9c: {  	[sflag:s10] =	ssyncadd.s32 $0xFFFFFF80;
	s20 =	smov.u32 s16;
	s18 =	sadd.s32 $0x20, s16  }
0x9d: {  	[tilespmem:s4], [sflag:$0x5] =	stream.linear.gather [hbm4b:s19+s4], $0x80, $0x38;
	[tilespmem:$0x1C200] =	vst v63  }
0x9e: {  	p0 =	sne.s32 s16, $0xFFFFFFE0  }
0x9f: {  	[spmem:s3] =	stream.indirect.scatter.add.f32 [tilespmem:s31], [sflag:$0x7], $0x40, s1, s0, $0xb8;
	[tilespmem:$0x1C200] =	vst v63  }
0xa0: {  	_ =	swait.ge [sflag:s30], $0x2000  }
0xa1: {  	s16 =	sadd.s32 s15, s21;
	s15 =	smov.u32 s20;
	[sflag:s30] =	ssyncset.done $0x0  }
0xa2: {  	s19 =	sadd.s32 $0x9E0, s16;
	[sflag:s30] =	ssyncadd.s32 $0xFFFFE000  }
0xa3: {  	[tilespmem:s1], [sflag:$0x3] =	stream.linear.gather [hbm4b:s19+s4], $0x80, $0x38;
	[tilespmem:$0x1C200] =	vst v63  }
0xa4: {  	_ =	swait.ge [sflag:s7], $0x80  }
0xa5: {  	[sflag:s7] =	ssyncset.done $0x0  }
0xa6: {  	[sflag:s7] =	ssyncadd.s32 $0xFFFFFF80  }
0xa7: {  	[tilespmem:s31], [sflag:$0x1] =	stream.indirect.gather [spmem:s2], $0x40, s4, s0, $0xb8;
	[tilespmem:$0x1C200] =	vst v63  }
0xa8: {  	_ =	swait.ge [sflag:s12], $0x2000  }
0xa9: {  	[sflag:s12] =	ssyncset.done $0x0  }
0xaa: {  	[sflag:s12] =	ssyncadd.s32 $0xFFFFE000  }
0xab: {  	_ =	swait.ge [sflag:s13], $0x80  }
0xac: {  	[sflag:s13] =	ssyncset.done $0x0  }
0xad: {  	s17 =	sadd.s32 $0x9F0, s17;
	[sflag:s13] =	ssyncadd.s32 $0xFFFFFF80  }
0xae: {  	[tilespmem:s0], [sflag:$0x6] =	stream.linear.gather [hbm4b:s17+s4], $0x80, $0x38;
	[tilespmem:$0x1C200] =	vst v63  }
0xaf: {  	_ = 	snop  }
0xb0: {  	[spmem:s3] =	stream.indirect.scatter.add.f32 [tilespmem:s29], [sflag:$0x7], $0x40, s6, s0, $0xb8;
	[tilespmem:$0x1C200] =	vst v63  }
0xb1: {  	_ =	swait.ge [sflag:s30], $0x2000  }
0xb2: {  	[sflag:s30] =	ssyncset.done $0x0  }
0xb3: {  	s16 =	sadd.s32 $0x9F0, s16;
	[sflag:s30] =	ssyncadd.s32 $0xFFFFE000  }
0xb4: {  	[tilespmem:s6], [sflag:$0x4] =	stream.linear.gather [hbm4b:s16+s4], $0x80, $0x38;
	[tilespmem:$0x1C200] =	vst v63  }
0xb5: {  	_ =	swait.ge [sflag:s8], $0x80  }
0xb6: {  	[sflag:s8] =	ssyncset.done $0x0  }
0xb7: {  	[sflag:s8] =	ssyncadd.s32 $0xFFFFFF80  }
0xb8: {  	[tilespmem:s29], [sflag:$0x2] =	stream.indirect.gather [spmem:s2], $0x40, s0, s0, $0xb8;
	[tilespmem:$0x1C200] =	vst v63  }
.Ltmp1:
0xb9: {  	_ =	swait.ge [sflag:s9], $0x2000;
	(pc) =	sbr.rel @p0 .LBB2_4-.Ltmp1, $4  }
0xba: {  	[sflag:s9] =	ssyncset.done $0x0  }
0xbb: {  	[sflag:s9] =	ssyncadd.s32 $0xFFFFE000  }
0xbc: {  	_ =	swait.ge [sflag:s10], $0x80  }
0xbd: {  	s17 =	sadd.s32 s15, s22;
	s16 =	smov.u32 s18;
	[sflag:s10] =	ssyncset.done $0x0  }
0xbe: {  	s16 =	sadd.s32 $0x9E0, s17;
	[sflag:s10] =	ssyncadd.s32 $0xFFFFFF80  }
0xbf: {  	[tilespmem:s4], [sflag:$0x5] =	stream.linear.gather [hbm4b:s16+s4], $0x80, $0x38;
	[tilespmem:$0x1C200] =	vst v63  }
0xc0: {  	_ = 	snop  }
0xc1: {  	[spmem:s3] =	stream.indirect.scatter.add.f32 [tilespmem:s31], [sflag:$0x7], $0x40, s1, s0, $0xb8;
	[tilespmem:$0x1C200] =	vst v63  }
0xc2: {  	_ =	swait.ge [sflag:s30], $0x2000  }
0xc3: {  	s15 =	sadd.s32 s15, s21;
	[sflag:s30] =	ssyncset.done $0x0  }
0xc4: {  	s20 =	sadd.s32 $0x9E0, s15;
	[sflag:s30] =	ssyncadd.s32 $0xFFFFE000  }
0xc5: {  	[tilespmem:s1], [sflag:$0x3] =	stream.linear.gather [hbm4b:s20+s4], $0x80, $0x38;
	[tilespmem:$0x1C200] =	vst v63  }
0xc6: {  	_ =	swait.ge [sflag:s7], $0x80  }
0xc7: {  	[sflag:s7] =	ssyncset.done $0x0  }
0xc8: {  	[sflag:s7] =	ssyncadd.s32 $0xFFFFFF80  }
0xc9: {  	[tilespmem:s31], [sflag:$0x1] =	stream.indirect.gather [spmem:s2], $0x40, s4, s0, $0xb8;
	[tilespmem:$0x1C200] =	vst v63  }
0xca: {  	_ =	swait.ge [sflag:s12], $0x2000  }
0xcb: {  	[sflag:s12] =	ssyncset.done $0x0  }
0xcc: {  	[sflag:s12] =	ssyncadd.s32 $0xFFFFE000  }
0xcd: {  	_ =	swait.ge [sflag:s13], $0x80  }
0xce: {  	[sflag:s13] =	ssyncset.done $0x0  }
0xcf: {  	s17 =	sadd.s32 $0x9F0, s17;
	[sflag:s13] =	ssyncadd.s32 $0xFFFFFF80  }
0xd0: {  	[tilespmem:s0], [sflag:$0x6] =	stream.linear.gather [hbm4b:s17+s4], $0x80, $0x38;
	[tilespmem:$0x1C200] =	vst v63  }
0xd1: {  	_ = 	snop  }
0xd2: {  	[spmem:s3] =	stream.indirect.scatter.add.f32 [tilespmem:s29], [sflag:$0x7], $0x40, s6, s0, $0xb8;
	[tilespmem:$0x1C200] =	vst v63  }
0xd3: {  	_ =	swait.ge [sflag:s30], $0x2000  }
0xd4: {  	[sflag:s30] =	ssyncset.done $0x0  }
0xd5: {  	s15 =	sadd.s32 $0x9F0, s15;
	[sflag:s30] =	ssyncadd.s32 $0xFFFFE000  }
0xd6: {  	[tilespmem:s6], [sflag:$0x4] =	stream.linear.gather [hbm4b:s15+s4], $0x80, $0x38;
	[tilespmem:$0x1C200] =	vst v63  }
0xd7: {  	_ =	swait.ge [sflag:s8], $0x80  }
0xd8: {  	[sflag:s8] =	ssyncset.done $0x0  }
0xd9: {  	[sflag:s8] =	ssyncadd.s32 $0xFFFFFF80  }
0xda: {  	[tilespmem:s29], [sflag:$0x2] =	stream.indirect.gather [spmem:s2], $0x40, s0, s0, $0xb8;
	[tilespmem:$0x1C200] =	vst v63  }
0xdb: {  	_ =	swait.ge [sflag:s9], $0x2000  }
0xdc: {  	[sflag:s9] =	ssyncset.done $0x0  }
0xdd: {  	[sflag:s9] =	ssyncadd.s32 $0xFFFFE000  }
0xde: {  	_ =	swait.ge [sflag:s10], $0x80  }
0xdf: {  	[sflag:s10] =	ssyncset.done $0x0  }
0xe0: {  	[sflag:s10] =	ssyncadd.s32 $0xFFFFFF80  }
0xe1: {  	[spmem:s3] =	stream.indirect.scatter.add.f32 [tilespmem:s31], [sflag:$0x7], $0x40, s1, s0, $0xb8;
	[tilespmem:$0x1C200] =	vst v63  }
0xe2: {  	_ =	swait.ge [sflag:s30], $0x2000  }
0xe3: {  	[sflag:s30] =	ssyncset.done $0x0  }
0xe4: {  	[sflag:s30] =	ssyncadd.s32 $0xFFFFE000  }
0xe5: {  	_ =	swait.ge [sflag:s12], $0x2000  }
0xe6: {  	[sflag:s12] =	ssyncset.done $0x0  }
0xe7: {  	[sflag:s12] =	ssyncadd.s32 $0xFFFFE000  }
0xe8: {  	_ =	swait.ge [sflag:s13], $0x80  }
0xe9: {  	[sflag:s13] =	ssyncset.done $0x0  }
0xea: {  	[sflag:s13] =	ssyncadd.s32 $0xFFFFFF80  }
0xeb: {  	[spmem:s3] =	stream.indirect.scatter.add.f32 [tilespmem:s29], [sflag:$0x7], $0x40, s6, s0, $0xb8;
	[tilespmem:$0x1C200] =	vst v63  }
0xec: {  	_ =	swait.ge [sflag:s30], $0x2000  }
0xed: {  	s18 =	stileid.u32;
	[sflag:s30] =	ssyncset.done $0x0  }
0xee: {  	s15 =	sshll.u32 s18, $0x6;
	[sflag:s30] =	ssyncadd.s32 $0xFFFFE000  }
0xef: {  	s19 =	sshrl.u32 s5, $0x3;
	s15 =	sor.u32 $0x1C07, s15;
	[bflag:$0x0] =	sbarrier.arrive $0xFFFF  }
0xf0: {  	[hbm:s24], [sflag:s15] =	dma.local [spmem:s19], $0x2800  }
0xf1: {  	_ =	swait.ge [sflag:s30], $0x2800  }
0xf2: {  	s14 =	sadd.s32 $0x1, s14;
	s20 =	rddreg [dreg:$0x9]  }
0xf3: {  	p0 =	sne.s32 s14, s20  }
.Ltmp2:
0xf4: {  	_ = 	snop;
	(pc) =	sbr.rel @p0 .LBB2_1-.Ltmp2, $3  }
0xf5: {  	_ =	sdelay $0x1  }
0xf6: {  	[sflag:s30] =	ssyncset.done $0x0  }
0xf7: {  	[sflag:s30] =	ssyncadd.s32 $0xFFFFD800  }
0xf8: {  	_ =	sfence.sel $0x180000  }
0xf9: {  	[bflag:$0x0] =	sbarrier.arrive $0xFFFF  }
0xfa: {  	_ =	strace $0x9000004D  }
0xfb: {  	s0 =	stileid.u32;
	[bflag:$0x2] =	sbarrier.arrive $0xFFFF  }
0xfc: {  	p0 =	sne.s32 s0, $0x0;
	s0 =	rddreg [dreg:$0x4]  }
0xfd: {  	s0 =	sadd.s32 @!p0 $0x100000, s0  }
0xfe: {  	[sflag:s0] =	ssyncadd.tile.s32 @!p0 $0x1;
	_ =	shalt  }
.Lfunc_end2:
_tile_overlayer_lowered:
.L_overlay_start_2:
0xff: {  	(tag) =	ssettag $0x2  }
0x100: {  	s0 =	rddreg [dreg:$0x0];
	s2 =	stileid.u32  }
0x101: {  	s1 =	rddreg [dreg:$0x1];
	p0 =	sne.s32 s2, $0x0  }
0x102: {  	s3 =	rddreg [dreg:$0x2];
	[bflag:$0x3] =	sbarrier.arrive $0xFFFF;
	s2 =	simm.s32 @!p0 $0x1C07  }
0x103: {  	[timem:s3], [sflag:s2] =	dma.local @!p0 [hbm:s0], s1  }
0x104: {  	s0 =	simm.s32 @!p0 $0x7  }
0x105: {  	_ =	swait.ge @!p0 [sflag:s0], s1  }
0x106: {  	s1 =	ssub.s32 @!p0 $0x0, s1;
	[sflag:s0] =	ssyncset.done @!p0 $0x0  }
0x107: {  	[sflag:s0] =	ssyncadd.s32 @!p0 s1  }
0x108: {  	[bflag:$0x3] =	sbarrier.arrive $0xFFFF  }
0x109: {  	_ =	shalt  }

// kernel: kernel.9.cloned.1.call-start
scs
__scs_entry_jumppad:
0x0: {  	(pc) =	sbr.rel $0x88, $3  }
0x1: {  	(tag) =	ssettag $0x0;
	lr =	simm.s32 $0x1  }
0x2: {  	[smem:$0x3F9D] =	sst lr;
	_ =	strace $0xD0000000  }
0x3: {  	_ = 	snop  }
0x4: {  	_ = 	snop  }
0x5: {  	_ = 	snop  }
0x6: {  	_ = 	snop  }
0x7: {  	_ = 	snop  }
__scs_overlays_trampoline_lowered:
0x8: {  	[smem:$0x3FAC] =	sst s0  }
0x9: {  	[smem:$0x3FAD] =	sst s1  }
0xa: {  	[smem:$0x3FAE] =	sst s2  }
0xb: {  	[smem:$0x3FAF] =	sst s3  }
0xc: {  	[smem:$0x3FB0] =	sst s4  }
0xd: {  	[smem:$0x3FB1] =	sst s5  }
0xe: {  	[smem:$0x3FB2] =	sst s6  }
0xf: {  	[smem:$0x3FB3] =	sst s7  }
0x10: {  	[smem:$0x3FB4] =	sst s8  }
0x11: {  	[smem:$0x3FB5] =	sst s9;
	s0 =	simm.s32 @!p0 $0x0  }
0x12: {  	s1 =	sld [smem:$0x3F9B];
	s0 =	simm.s32 @p0 $0x1  }
0x13: {  	[smem:$0x3FB6] =	sst s0;
	s0 =	simm.s32 @!p1 $0x0  }
0x14: {  	s2 =	sld [smem:$0x3F9A];
	s0 =	simm.s32 @p1 $0x1  }
0x15: {  	[smem:$0x3FB7] =	sst s0;
	s0 =	simm.s32 @!p2 $0x0  }
0x16: {  	s3 =	sld [smem:$0x3FDB];
	s0 =	simm.s32 @p2 $0x1  }
0x17: {  	s4 =	simm.s32 $0x1BF5;
	[smem:$0x3FB9] =	sst s0  }
0x18: {  	s0 =	sld [smem:$0x3F9C];
	_ =	swait.ge [sflag:s4], $0x0  }
0x19: {  	s7 =	sld [smem:$0x3F9D]  }
0x1a: {  	s8 =	sadd.s32 $0xFFFFE003, lr  }
0x1b: {  	s9 =	sadd.s32 $0xFFFFFEF7, lr;
	s5 =	simm.s32 $0xFFFFFFFF;
	p2 =	slt.u32 s8, $0xFFFFF086  }
0x1c: {  	p1 =	slt.u32 s9, $0xF7A;
	s5 =	simm.s32 @!p2 $0x0  }
0x1d: {  	s5 =	simm.s32 @p1 $0x1;
	p0 =	seq.s32 s7, s2  }
0x1e: {  	s7 =	smul.u32 @!p0 $0xF7A, s2;
	p2 =	seq.s32 @!p0 s5, $0x0  }
0x1f: {  	s9 =	smul.u32 $0xF7A, s1;
	s8 =	simm.s32 @!p0 $0x1BF5;
	p2 =	por !p2, p0  }
0x20: {  	[sflag:s8] =	ssyncset.s32 @!p0 $0xFFFFF086;
	s6 =	sadd.s32 @!p0 s3, s7;
	s7 =	simm.s32 @!p0 $0x108  }
0x21: {  	s3 =	sadd.s32 s3, s9;
	s6 =	sadd.s32 @!p0 $0x88, s6;
	s7 =	simm.s32 @p2 $0x1082  }
0x22: {  	[simem:s7], [sflag:s8] =	dma.local @!p0 [hbm:s6], $0xF7A  }
0x23: {  	s9 =	sor.u32 $0xD0000000, s2;
	s6 =	simm.s32 $0x108;
	_ =	swait.ge @!p0 [sflag:s8], $0x0  }
0x24: {  	s3 =	sadd.s32 $0x88, s3;
	s6 =	simm.s32 @!p1 $0x1082;
	[sflag:s4] =	ssyncset.s32 $0xFFFFF086  }
0x25: {  	[simem:s6], [sflag:s4] =	dma.local [hbm:s3], $0xF7A  }
0x26: {  	[smem:$0x3F9D] =	sst s1;
	(tag) =	ssettag s2;
	_ =	strace s9  }
0x27: {  	s1 =	sld [smem:$0x3FAD]  }
0x28: {  	s2 =	sld [smem:$0x3FAE]  }
0x29: {  	s4 =	sld [smem:$0x3FB0]  }
0x2a: {  	p0 =	seq.s32 s5, $0x0;
	s5 =	sld [smem:$0x3FB1]  }
0x2b: {  	s6 =	sld [smem:$0x3FB2]  }
0x2c: {  	s7 =	sld [smem:$0x3FB3]  }
0x2d: {  	s3 =	simm.s32 $0x108;
	s8 =	sld [smem:$0x3FB4]  }
0x2e: {  	s3 =	simm.s32 @!p0 $0x1082;
	s9 =	sld [smem:$0x3FB5]  }
0x2f: {  	lr =	sadd.s32 s0, s3;
	s0 =	sld [smem:$0x3FAC]  }
0x30: {  	s3 =	sld [smem:$0x3FAF]  }
0x31: {  	[smem:$0x3FB8] =	sst s10  }
0x32: {  	s10 =	sld [smem:$0x3FB6];
	_ =	sdelay $0x3  }
0x33: {  	p0 =	seq.s32 s10, $0x1;
	s10 =	sld [smem:$0x3FB8];
	_ =	sdelay $0x3  }
0x34: {  	[smem:$0x3FB8] =	sst s10  }
0x35: {  	s10 =	sld [smem:$0x3FB7];
	_ =	sdelay $0x3  }
0x36: {  	p1 =	seq.s32 s10, $0x1;
	s10 =	sld [smem:$0x3FB8];
	_ =	sdelay $0x3  }
0x37: {  	[smem:$0x3FB8] =	sst s10  }
0x38: {  	s10 =	sld [smem:$0x3FB9]  }
0x39: {  	_ = 	snop;
	(pc) =	sbr.ind lr, $3  }
0x3a: {  	_ = 	snop  }
0x3b: {  	_ = 	snop  }
0x3c: {  	p2 =	seq.s32 s10, $0x1;
	s10 =	sld [smem:$0x3FB8]  }
0x3d: {  	_ =	shalt  }
0x3e: {  	_ =	shalt  }
0x3f: {  	_ =	shalt  }
0x40: {  	_ =	shalt  }
0x41: {  	_ =	shalt  }
0x42: {  	_ =	shalt  }
0x43: {  	_ =	shalt  }
0x44: {  	_ =	shalt  }
0x45: {  	_ =	shalt  }
0x46: {  	_ =	shalt  }
0x47: {  	_ =	shalt  }
0x48: {  	_ =	shalt  }
0x49: {  	_ =	shalt  }
0x4a: {  	_ =	shalt  }
0x4b: {  	_ =	shalt  }
0x4c: {  	_ =	shalt  }
0x4d: {  	_ =	shalt  }
0x4e: {  	_ =	shalt  }
0x4f: {  	_ =	shalt  }
0x50: {  	_ =	shalt  }
0x51: {  	_ =	shalt  }
0x52: {  	_ =	shalt  }
0x53: {  	_ =	shalt  }
0x54: {  	_ =	shalt  }
0x55: {  	_ =	shalt  }
0x56: {  	_ =	shalt  }
0x57: {  	_ =	shalt  }
0x58: {  	_ =	shalt  }
0x59: {  	_ =	shalt  }
0x5a: {  	_ =	shalt  }
0x5b: {  	_ =	shalt  }
0x5c: {  	_ =	shalt  }
0x5d: {  	_ =	shalt  }
0x5e: {  	_ =	shalt  }
0x5f: {  	_ =	shalt  }
0x60: {  	_ =	shalt  }
0x61: {  	_ =	shalt  }
0x62: {  	_ =	shalt  }
0x63: {  	_ =	shalt  }
0x64: {  	_ =	shalt  }
0x65: {  	_ =	shalt  }
0x66: {  	_ =	shalt  }
0x67: {  	_ =	shalt  }
0x68: {  	_ =	shalt  }
0x69: {  	_ =	shalt  }
0x6a: {  	_ =	shalt  }
0x6b: {  	_ =	shalt  }
0x6c: {  	_ =	shalt  }
0x6d: {  	_ =	shalt  }
0x6e: {  	_ =	shalt  }
0x6f: {  	_ =	shalt  }
0x70: {  	_ =	shalt  }
0x71: {  	_ =	shalt  }
0x72: {  	_ =	shalt  }
0x73: {  	_ =	shalt  }
0x74: {  	_ =	shalt  }
0x75: {  	_ =	shalt  }
0x76: {  	_ =	shalt  }
0x77: {  	_ =	shalt  }
0x78: {  	_ =	shalt  }
0x79: {  	_ =	shalt  }
0x7a: {  	_ =	shalt  }
0x7b: {  	_ =	shalt  }
0x7c: {  	_ =	shalt  }
0x7d: {  	_ =	shalt  }
0x7e: {  	_ =	shalt  }
0x7f: {  	_ =	shalt  }
0x80: {  	_ =	shalt  }
0x81: {  	_ =	shalt  }
0x82: {  	_ =	shalt  }
0x83: {  	_ =	shalt  }
0x84: {  	_ =	shalt  }
0x85: {  	_ =	shalt  }
0x86: {  	_ =	shalt  }
0x87: {  	_ =	shalt  }
.Lfunc_end0:
.L_simem_size_0:
called_computation_lowered:
.L_overlay_start_0:
0x88: {  	s2 =	sld [smem:$0x3FD9]  }
0x89: {  	s3 =	sld [smem:$0x3FFE];
	_ =	sdelay $0x1  }
0x8a: {  	s1 =	srdreg.scid  }
0x8b: {  	s0 =	sand.u32 $0x1, s1  }
0x8c: {  	s17 =	sshll.u32 s0, $0xA;
	s2 =	sadd.s32 s3, s2  }
0x8d: {  	s2 =	sadd.s32 s2, s17  }
0x8e: {  	[smem:$0x3FC4] =	sst s2  }
0x8f: {  	_ = 	snop  }
0x90: {  	s2 =	sld [smem:$0x3FD0];
	(tm) =	ssettm $0x1  }
0x91: {  	s18 =	sld [smem:$0x3FFB];
	_ =	sdelay $0x3  }
0x92: {  	_ =	strace s18  }
0x93: {  	s3 =	sld [smem:$0x3FFC];
	_ =	sdelay $0x3  }
0x94: {  	_ =	strace s3  }
0x95: {  	s3 =	sld [smem:$0x3FFD];
	_ =	sdelay $0x3  }
0x96: {  	_ =	strace s3  }
0x97: {  	_ =	strace $0x8FFFFFFF  }
0x98: {  	s19 =	sld [smem:$0x3FDB];
	_ =	sdelay $0x1  }
0x99: {  	s4 =	simm.s32 $_scs_section_size  }
0x9a: {  	s5 =	simm.s32 $_size__tile_overlayer_lowered;
	s6 =	simm.s32 $_tile_overlayer_lowered  }
0x9b: {  	s22 =	simm.s32 $0x1BFF;
	s21 =	sshll.u32 s6, $0x1;
	s3 =	sadd.s32 s4, s19  }
0x9c: {  	s7 =	simm.s32 $0x0;
	s20 =	sshll.u32 s5, $0x1;
	s5 =	sadd.s32 s21, s3  }
0x9d: {  	[timem:s7], [sflag:s22] =	dma.local [hbm:s5], s20  }
0x9e: {  	_ =	swait.ge [sflag:s22], s20  }
0x9f: {  	s4 =	ssub.s32 $0x0, s20;
	[sflag:s22] =	ssyncset.done $0x0  }
0xa0: {  	[sflag:s22] =	ssyncadd.s32 s4;
	_ =	sdelay $0x1  }
0xa1: {  	s23 =	simm.s32 $0x1B8B  }
0xa2: {  	_ =	swait.ge [sflag:s23], $0x1  }
0xa3: {  	[sflag:s23] =	ssyncset.done $0x0  }
0xa4: {  	s25 =	simm.s32 $0x1B8E;
	s24 =	sld [smem:$0x3FFE];
	[sflag:s23] =	ssyncadd.s32 $0xFFFFFFFF  }
0xa5: {  	s26 =	simm.s32 $execute0_lowered;
	[smem:$0x3FD2] =	sst s25  }
0xa6: {  	s5 =	sshll.u32 s26, $0x1;
	_ =	strace $0x80000046;
	[dreg:$0x1] =	wrdreg $0xFFFFFFFF  }
0xa7: {  	s28 =	simm.s32 $_size_execute0_lowered;
	s3 =	sadd.s32 s3, s5;
	[dreg:$0x0] =	wrdreg $0x0  }
0xa8: {  	s5 =	sshll.u32 s28, $0x1;
	[dreg:$0x2] =	wrdreg s3  }
0xa9: {  	[dreg:$0x3] =	wrdreg s5  }
0xaa: {  	[dreg:$0x4] =	wrdreg $0xC0  }
0xab: {  	_ =	task [dreg:s7], $0x5FFFF  }
0xac: {  	[dreg:$0x1] =	wrdreg $0xFFFFFFFF  }
0xad: {  	[dreg:$0x0] =	wrdreg $0x60  }
0xae: {  	[dreg:$0x2] =	wrdreg s2  }
0xaf: {  	[dreg:$0x3] =	wrdreg s24  }
0xb0: {  	[dreg:$0x4] =	wrdreg $0x3800  }
0xb1: {  	[dreg:$0x5] =	wrdreg $0x9  }
0xb2: {  	_ =	task.clear_ibuf [dreg:s7], $0x6FFFF;
	_ =	strace $0x90000046  }
0xb3: {  	s29 =	simm.s32 $0x9;
	_ =	strace $0x80000048  }
0xb4: {  	_ =	swait.ge [sflag:s29], $0x1  }
0xb5: {  	[sflag:s29] =	ssyncadd.s32 $0xFFFFFFFF  }
0xb6: {  	_ =	strace $0x90000048  }
0xb7: {  	_ =	sfence  }
0xb8: {  	s30 =	sld [smem:$0x0];
	_ =	sdelay $0x2  }
0xb9: {  	s31 =	sshll.u32 s1, $0xD;
	s1 =	sshrl.u32 s1, $0x2  }
0xba: {  	s3 =	sand.u32 $0x4000, s31;
	s1 =	sadd.s32 s1, s30  }
0xbb: {  	s0 =	sor.u32 s3, s0;
	s1 =	sshll.u32 s1, $0x11  }
0xbc: {  	s0 =	sor.u32 s1, s0  }
0xbd: {  	s0 =	sadd.s32 $0x8F2B, s0  }
0xbe: {  	[sflag:s0] =	ssyncadd.remote.s32 $0x1  }
0xbf: {  	_ =	sfence.sel $0xFFFF  }
0xc0: {  	[dreg:$0x0] =	wrdreg $0xFFFFFFFF;
	(pc) =	sbr.abs _section_cstart, $3  }
0xc1: {  	[dreg:$0x1] =	wrdreg $0xFFFFFFFF  }
0xc2: {  	_ =	task.clear_ibuf [dreg:s7], $0x2FFFF;
	_ =	strace $0x9FFFFFFF  }
0xc3: {  	(tm) =	ssettm $0x7FFFFFFF  }
tec
execute0_lowered:
.L_overlay_start_1:
0x0: {  	(tag) =	ssettag $0x1  }
0x1: {  	s5 =	rddreg [dreg:$0x0]  }
0x2: {  	s4 =	rddreg [dreg:$0x1]  }
0x3: {  	s1 =	rddreg [dreg:$0x2]  }
0x4: {  	s0 =	rddreg [dreg:$0x3];
	s2 =	srdreg.scid  }
0x5: {  	s3 =	simm.s32 $0x0;
	s6 =	sand.u32 $0x1, s2;
	s2 =	stileid.u32  }
0x6: {  	s13 =	simm.s32 $0x20;
	s14 =	simm.s32 $0x10;
	s8 =	smul.u32 $0xA00, s2  }
0x7: {  	s7 =	sshll.u32 s6, $0x4;
	s30 =	ssub.s32 $0x2, s6;
	s6 =	smul.u32 $0x4F00, s6  }
0x8: {  	s15 =	simm.s32 $0x0;
	[smem:$0x7FF] =	sst s3;
	s31 =	smul.u32 $0x4F0, s2  }
0x9: {  	_ =	strace $0x80000047;
	s11 =	smul.u32 $0xA0, s2;
	s12 =	sshll.u32 s2, $0x6  }
0xa: {  	s7 =	sadd.s32 s7, s4;
	s9 =	sshrl.u32 s30, $0x1;
	s8 =	sshrl.u32 s8, $0x2  }
0xb: {  	s9 =	ssub.s32 s30, s9;
	s10 =	sadd.s32 $0xBE00, s7;
	s6 =	sadd.s32 s6, s5  }
0xc: {  	s7 =	simm.s32 $0x100;
	s4 =	sadd.s32 s8, s1;
	s5 =	smax.u32 s9, $0x1  }
0xd: {  	s6 =	sadd.s32 s31, s6;
	s8 =	simm.s32 $0x1;
	s9 =	simm.s32 $0x80  }
0xe: {  	v0 =	vimm.f32 $0.0e+00;
	v1 =	vimm.f32 $1.000000000e+00;
	s10 =	sadd.s32 s11, s10;
	s11 =	sor.u32 $0x1C01, s12;
	s12 =	sshrl.u32 s4, $0x3  }
.LBB2_1:
0xf: {  	[tilespmem:$0x100] =	vst v0  }
0x10: {  	[tilespmem:$0x110] =	vst v0  }
0x11: {  	[tilespmem:$0x120] =	vst v0  }
0x12: {  	[tilespmem:$0x130] =	vst v0  }
0x13: {  	[tilespmem:$0x140] =	vst v0  }
0x14: {  	[tilespmem:$0x150] =	vst v0  }
0x15: {  	[tilespmem:$0x160] =	vst v0  }
0x16: {  	[tilespmem:$0x170] =	vst v0  }
0x17: {  	[tilespmem:$0x180] =	vst v0  }
0x18: {  	[tilespmem:$0x190] =	vst v0  }
0x19: {  	[tilespmem:$0x1A0] =	vst v0  }
0x1a: {  	[tilespmem:$0x1B0] =	vst v0  }
0x1b: {  	[tilespmem:$0x1C0] =	vst v0  }
0x1c: {  	[tilespmem:$0x1D0] =	vst v0  }
0x1d: {  	[tilespmem:$0x1E0] =	vst v0  }
0x1e: {  	[tilespmem:$0x1F0] =	vst v0  }
0x1f: {  	[tilespmem:$0x200] =	vst v0  }
0x20: {  	[tilespmem:$0x210] =	vst v0  }
0x21: {  	[tilespmem:$0x220] =	vst v0  }
0x22: {  	[tilespmem:$0x230] =	vst v0  }
0x23: {  	[tilespmem:$0x240] =	vst v0  }
0x24: {  	[tilespmem:$0x250] =	vst v0  }
0x25: {  	[tilespmem:$0x260] =	vst v0  }
0x26: {  	[tilespmem:$0x270] =	vst v0  }
0x27: {  	[tilespmem:$0x280] =	vst v0  }
0x28: {  	[tilespmem:$0x290] =	vst v0  }
0x29: {  	[tilespmem:$0x2A0] =	vst v0  }
0x2a: {  	[tilespmem:$0x2B0] =	vst v0  }
0x2b: {  	[tilespmem:$0x2C0] =	vst v0  }
0x2c: {  	[tilespmem:$0x2D0] =	vst v0  }
0x2d: {  	[tilespmem:$0x2E0] =	vst v0  }
0x2e: {  	[tilespmem:$0x2F0] =	vst v0  }
0x2f: {  	[tilespmem:$0x300] =	vst v0  }
0x30: {  	[tilespmem:$0x310] =	vst v0  }
0x31: {  	[tilespmem:$0x320] =	vst v0  }
0x32: {  	[tilespmem:$0x330] =	vst v0  }
0x33: {  	[tilespmem:$0x340] =	vst v0  }
0x34: {  	[tilespmem:$0x350] =	vst v0  }
0x35: {  	[tilespmem:$0x360] =	vst v0  }
0x36: {  	[tilespmem:$0x370] =	vst v0  }
0x37: {  	[tilespmem:$0x80] =	vst v1  }
0x38: {  	[tilespmem:$0x90] =	vst v1  }
0x39: {  	[tilespmem:$0xA0] =	vst v1  }
0x3a: {  	[tilespmem:$0xB0] =	vst v1  }
0x3b: {  	[tilespmem:$0xC0] =	vst v1  }
0x3c: {  	[tilespmem:$0xD0] =	vst v1  }
0x3d: {  	[tilespmem:$0xE0] =	vst v1  }
0x3e: {  	[tilespmem:$0xF0] =	vst v1  }
0x3f: {  	[spmem:s4] =	stream.linear.scatter [tilespmem:s7], [sflag:$0x1], $0x280, $0x38;
	[tilespmem:$0x600] =	vst v63  }
0x40: {  	_ =	swait.ge [sflag:s8], $0x280  }
0x41: {  	[sflag:s8] =	ssyncset.done $0x0  }
0x42: {  	[sflag:s8] =	ssyncadd.s32 $0xFFFFFD80  }
0x43: {  	s16 =	sadd.s32 $0x0, s6;
	[bflag:$0x0] =	sbarrier.arrive $0xFFFF  }
0x44: {  	[tilespmem:s3], [sflag:$0x1] =	stream.linear.gather [hbm4b:s16+s3], $0x80, $0x38;
	[tilespmem:$0x600] =	vst v63  }
0x45: {  	_ =	swait.ge [sflag:s8], $0x80  }
0x46: {  	[sflag:s8] =	ssyncset.done $0x0  }
0x47: {  	[sflag:s8] =	ssyncadd.s32 $0xFFFFFF80  }
0x48: {  	[spmem:s1] =	stream.indirect.scatter.add.f32 [tilespmem:s9], [sflag:$0x1], $0x1, s3, s9, $0xb8;
	[tilespmem:$0x600] =	vst v63  }
0x49: {  	_ =	swait.ge [sflag:s8], $0x80  }
0x4a: {  	s17 =	simm.s32 $0x20;
	s16 =	simm.s32 $0x10;
	[sflag:s8] =	ssyncset.done $0x0  }
.LBB2_2:
0x4b: {  	s18 =	sadd.s32 s16, s6  }
0x4c: {  	[sflag:s8] =	ssyncadd.s32 $0xFFFFFF80;
	s16 =	smov.u32 s17;
	s19 =	sadd.s32 $0x10, s17  }
0x4d: {  	[tilespmem:s3], [sflag:$0x1] =	stream.linear.gather [hbm4b:s18+s3], $0x80, $0x38;
	[tilespmem:$0x600] =	vst v63  }
0x4e: {  	p0 =	sne.s32 s17, $0x4E0;
	_ =	swait.ge [sflag:s8], $0x80  }
.Ltmp0:
0x4f: {  	[sflag:s8] =	ssyncset.done $0x0;
	(pc) =	sbr.rel @p0 .LBB2_2-.Ltmp0, $4  }
0x50: {  	[sflag:s8] =	ssyncadd.s32 $0xFFFFFF80  }
0x51: {  	[spmem:s1] =	stream.indirect.scatter.add.f32 [tilespmem:s9], [sflag:$0x1], $0x1, s3, s9, $0xb8;
	[tilespmem:$0x600] =	vst v63  }
0x52: {  	_ =	swait.ge [sflag:s8], $0x80  }
0x53: {  	s17 =	smov.u32 s19;
	[sflag:s8] =	ssyncset.done $0x0  }
0x54: {  	s16 =	sadd.s32 s16, s6;
	[sflag:s8] =	ssyncadd.s32 $0xFFFFFF80  }
0x55: {  	[tilespmem:s3], [sflag:$0x1] =	stream.linear.gather [hbm4b:s16+s3], $0x80, $0x38;
	[tilespmem:$0x600] =	vst v63  }
0x56: {  	_ =	swait.ge [sflag:s8], $0x80  }
0x57: {  	[sflag:s8] =	ssyncset.done $0x0  }
0x58: {  	[sflag:s8] =	ssyncadd.s32 $0xFFFFFF80  }
0x59: {  	[spmem:s1] =	stream.indirect.scatter.add.f32 [tilespmem:s9], [sflag:$0x1], $0x1, s3, s9, $0xb8;
	[tilespmem:$0x600] =	vst v63  }
0x5a: {  	_ =	swait.ge [sflag:s8], $0x80  }
0x5b: {  	s15 =	sadd.s32 $0x1, s15;
	[sflag:s8] =	ssyncset.done $0x0  }
0x5c: {  	p0 =	sne.s32 s15, s5;
	[sflag:s8] =	ssyncadd.s32 $0xFFFFFF80  }
.Ltmp1:
0x5d: {  	[bflag:$0x0] =	sbarrier.arrive $0xFFFF;
	(pc) =	sbr.rel @p0 .LBB2_1-.Ltmp1, $4  }
0x5e: {  	[hbm:s10@s13], [sflag:s11] =	dma.strided [spmem:s12@s14], $0x50, s8, $0x10   }
0x5f: {  	_ =	swait.ge [sflag:s8], $0x50  }
0x60: {  	[sflag:s8] =	ssyncset.done $0x0  }
0x61: {  	[sflag:s8] =	ssyncadd.s32 $0xFFFFFFB0  }
0x62: {  	_ =	sfence.sel $0x180000  }
0x63: {  	[bflag:$0x0] =	sbarrier.arrive $0xFFFF  }
0x64: {  	p0 =	sne.s32 s2, $0x0;
	_ =	strace $0x90000047  }
0x65: {  	s0 =	sadd.s32 @!p0 $0x100000, s0;
	[bflag:$0x2] =	sbarrier.arrive $0xFFFF  }
0x66: {  	[sflag:s0] =	ssyncadd.tile.s32 @!p0 $0x1;
	_ =	shalt  }
.Lfunc_end2:
_tile_overlayer_lowered:
.L_overlay_start_2:
0x67: {  	(tag) =	ssettag $0x2  }
0x68: {  	s0 =	rddreg [dreg:$0x0];
	s2 =	stileid.u32  }
0x69: {  	s1 =	rddreg [dreg:$0x1];
	p0 =	sne.s32 s2, $0x0  }
0x6a: {  	s3 =	rddreg [dreg:$0x2];
	[bflag:$0x3] =	sbarrier.arrive $0xFFFF;
	s2 =	simm.s32 @!p0 $0x1C01  }
0x6b: {  	[timem:s3], [sflag:s2] =	dma.local @!p0 [hbm:s0], s1  }
0x6c: {  	s0 =	simm.s32 @!p0 $0x1  }
0x6d: {  	_ =	swait.ge @!p0 [sflag:s0], s1  }
0x6e: {  	s1 =	ssub.s32 @!p0 $0x0, s1;
	[sflag:s0] =	ssyncset.done @!p0 $0x0  }
0x6f: {  	[sflag:s0] =	ssyncadd.s32 @!p0 s1  }
0x70: {  	[bflag:$0x3] =	sbarrier.arrive $0xFFFF  }
0x71: {  	_ =	shalt  }

</sc_bundles>
